<compile_context>
chip_gen: v7x
topology: tpu7x:2x2x1
jax: 0.10.2.dev20260603
libtpu: 0.0.44.dev20260713+nightly
codegen_flags: <defaults>
</compile_context>

<pallas_src>
import functools

import jax
import jax.numpy as jnp
from jax import lax
from jax.experimental import pallas as pl
from jax.experimental.pallas import tpu as pltpu
from jax.experimental.pallas import tpu_sc as plsc

NC = 2
NS = 16
NW = NC * NS

B = 512
C = 128
NBUF = 4


def _sc_mesh():
    return plsc.VectorSubcoreMesh(core_axis_name="c", subcore_axis_name="s")


def _dbuf_pipeline(c, npw, wid, idxa_hbm, idxb_hbm, ia, ib, rows,
                   semi, issue_gather, wait_gather, issue_consume,
                   wait_consume):

    def load_idx(i, b):
        base = (wid + i * NW) * c
        pltpu.async_copy(idxa_hbm.at[pl.ds(base, c)], ia[b], semi[b])
        pltpu.async_copy(idxb_hbm.at[pl.ds(base, c)], ib[b], semi[b])

    def drain_idx(b):
        pltpu.make_async_copy(idxa_hbm.at[pl.ds(0, c)], ia[b], semi[b]).wait()
        pltpu.make_async_copy(idxb_hbm.at[pl.ds(0, c)], ib[b], semi[b]).wait()

    def do_chunk(i, b, wait_prev, prefetch):
        nb = 1 - b
        if wait_prev:
            wait_consume(nb)
        if prefetch:
            load_idx(i + 1, nb)
        drain_idx(b)
        issue_gather(b)
        wait_gather(b)
        issue_consume(b)

    load_idx(0, 0)
    do_chunk(0, 0, False, True)
    do_chunk(1, 1, True, True)

    def body(g, carry):
        do_chunk(2 * g, 0, True, True)
        do_chunk(2 * g + 1, 1, True, True)
        return carry

    lax.fori_loop(1, npw // 2 - 1, body, 0)
    do_chunk(npw - 2, 0, True, True)
    do_chunk(npw - 1, 1, True, False)
    wait_consume(1)


def _gather_kernel(ec, e_trash, d, c):
    npw = ec // c // NW

    @functools.partial(
        pl.kernel,
        mesh=_sc_mesh(),
        out_type=jax.ShapeDtypeStruct((e_trash + c, d), jnp.float32),
        scratch_types=(
            [pltpu.VMEM((c,), jnp.int32)] * 4
            + [pltpu.VMEM((2, c, d), jnp.float32)]
            + [pltpu.SemaphoreType.DMA] * 6
        ),
    )
    def gather_k(src_hbm, slot_hbm, feat_hbm, h_hbm, *scratch):
        ia = scratch[0:2]
        ib = scratch[2:4]
        rows = scratch[4]
        semi = scratch[5:7]
        semg = scratch[7:9]
        semc = scratch[9:11]
        wid = lax.axis_index("s") * NC + lax.axis_index("c")

        def issue_gather(b):
            pltpu.async_copy(feat_hbm.at[ia[b]], rows.at[b], semg[b])

        def wait_gather(b):
            pltpu.make_async_copy(feat_hbm.at[ia[b]], rows.at[b], semg[b]).wait()

        def issue_consume(b):
            pltpu.async_copy(rows.at[b], h_hbm.at[ib[b]], semc[b])

        def wait_consume(b):
            pltpu.make_async_copy(rows.at[b], h_hbm.at[ib[b]], semc[b]).wait()

        _dbuf_pipeline(c, npw, wid, src_hbm, slot_hbm, ia, ib, rows,
                       semi, issue_gather, wait_gather, issue_consume,
                       wait_consume)

    return gather_k


def _scatter_kernel(ec, e_pad, nn_pad, d, c):
    npw = ec // c // NW
    rpt = nn_pad // NS

    @functools.partial(
        pl.kernel,
        mesh=_sc_mesh(),
        out_type=jax.ShapeDtypeStruct((NC * nn_pad, d), jnp.float32),
        scratch_types=(
            [pltpu.VMEM((c,), jnp.int32)] * 4
            + [pltpu.VMEM((2, c, d), jnp.float32),
               pltpu.VMEM_SHARED((nn_pad, d), jnp.float32)]
            + [pltpu.SemaphoreType.DMA] * 6
        ),
    )
    def scatter_k(slot_hbm, dst_hbm, m_hbm, zeros_hbm, out_hbm, *scratch):
        ia = scratch[0:2]
        ib = scratch[2:4]
        rows = scratch[4]
        acc = scratch[5]
        semi = scratch[6:8]
        semg = scratch[8:10]
        semc = scratch[10:12]
        cid = lax.axis_index("c")
        sid = lax.axis_index("s")
        wid = sid * NC + cid

        pltpu.sync_copy(zeros_hbm.at[pl.ds(sid * rpt, rpt)],
                        acc.at[pl.ds(sid * rpt, rpt)])
        plsc.subcore_barrier()

        def issue_gather(b):
            pltpu.async_copy(m_hbm.at[ia[b]], rows.at[b], semg[b])

        def wait_gather(b):
            pltpu.make_async_copy(m_hbm.at[ia[b]], rows.at[b], semg[b]).wait()

        def issue_consume(b):
            pltpu.async_copy(rows.at[b], acc.at[ib[b]], semc[b], add=True)

        def wait_consume(b):
            pltpu.make_async_copy(rows.at[b], acc.at[ib[b]], semc[b]).wait()

        _dbuf_pipeline(c, npw, wid, slot_hbm, dst_hbm, ia, ib, rows,
                       semi, issue_gather, wait_gather, issue_consume,
                       wait_consume)

        plsc.subcore_barrier()
        pltpu.sync_copy(acc.at[pl.ds(sid * rpt, rpt)],
                        out_hbm.at[pl.ds(cid * nn_pad + sid * rpt, rpt)])

    return scatter_k


def kernel(feat, edge_index, etypes, weight):
    n_nodes, d_in = feat.shape
    num_rels, _, d_out = weight.shape
    n_edges = etypes.shape[0]

    nblk_max = n_edges // B + num_rels
    e_pad = nblk_max * B
    nn_pad = ((n_nodes + 1 + NS * 8 - 1) // (NS * 8)) * (NS * 8)
    cg, cs = 128, 128
    def _ec(c):
        return ((n_edges + 2 * NW * c - 1) // (2 * NW * c)) * (2 * NW * c)
    ec_g, ec_s = _ec(cg), _ec(cs)

    ch2 = 16384
    sub = ch2 // 128
    nchk = (n_edges + ch2 - 1) // ch2
    et_pad = jnp.pad(etypes.astype(jnp.int32), (0, nchk * ch2 - n_edges),
                     constant_values=num_rels).reshape(nchk, sub, 128)
    utri = jnp.triu(jnp.ones((128, 128), jnp.float32))
    ltri_s = jnp.tril(jnp.ones((sub, sub), jnp.float32), k=-1)

    def count_body(et_ref, cb_ref, tot_ref, carry):
        i = pl.program_id(0)
        et = et_ref[0]
        rr = lax.broadcasted_iota(jnp.int32, (sub, num_rels, 128), 1)
        oht = (et[:, None, :] == rr).astype(jnp.float32)
        totals = jnp.sum(oht, axis=(0, 2))

        @pl.when(i == 0)
        def _():
            carry[...] = jnp.zeros_like(carry)

        cb_ref[...] = carry[0:1, :][None]
        tot_ref[...] = totals[None, None, :]
        carry[0:1, :] = carry[0:1, :] + totals[None, :]

    cb, tot = pl.pallas_call(
        count_body,
        grid=(nchk,),
        in_specs=[pl.BlockSpec((1, sub, 128), lambda i: (i, 0, 0))],
        out_specs=[pl.BlockSpec((1, 1, num_rels), lambda i: (i, 0, 0)),
                   pl.BlockSpec((1, 1, num_rels), lambda i: (i, 0, 0))],
        out_shape=[jax.ShapeDtypeStruct((nchk, 1, num_rels), jnp.float32),
                   jax.ShapeDtypeStruct((nchk, 1, num_rels), jnp.float32)],
        scratch_shapes=[pltpu.VMEM((8, num_rels), jnp.float32)],
    )(et_pad)

    counts = (cb[-1, 0] + tot[-1, 0]).astype(jnp.int32)
    nblk = (counts + B - 1) // B
    blk_end = jnp.cumsum(nblk)
    blk_offb = ((blk_end - nblk) * B).astype(jnp.float32)
    base = cb[:, 0, :] + blk_offb[None, :] - 1.0

    def slot_body(et_ref, base_ref, u_ref, ls_ref, slot_ref):
        et = et_ref[0]
        rr = lax.broadcasted_iota(jnp.int32, (sub, num_rels, 128), 1)
        oht = (et[:, None, :] == rr).astype(jnp.float32)
        wt = lax.dot_general(oht, u_ref[...], (((2,), (0,)), ((), ())),
                             preferred_element_type=jnp.float32)
        subtot = wt[:, :, 127]
        sb = lax.dot_general(ls_ref[...], subtot, (((1,), (0,)), ((), ())),
                             preferred_element_type=jnp.float32)
        val = wt + sb[:, :, None] + base_ref[0, 0][None, :, None]
        slot_ref[...] = jnp.sum(oht * val, axis=1)[None].astype(jnp.int32)

    slot3 = pl.pallas_call(
        slot_body,
        grid=(nchk,),
        in_specs=[
            pl.BlockSpec((1, sub, 128), lambda i: (i, 0, 0)),
            pl.BlockSpec((1, 1, num_rels), lambda i: (i, 0, 0)),
            pl.BlockSpec((128, 128), lambda i: (0, 0)),
            pl.BlockSpec((sub, sub), lambda i: (0, 0)),
        ],
        out_specs=pl.BlockSpec((1, sub, 128), lambda i: (i, 0, 0)),
        out_shape=jax.ShapeDtypeStruct((nchk, sub, 128), jnp.int32),
    )(et_pad, base.reshape(nchk, 1, num_rels), utri, ltri_s)
    slot = slot3.reshape(nchk * ch2)[:n_edges]

    bids = jnp.arange(nblk_max, dtype=jnp.int32)
    brel = jnp.minimum(
        jnp.searchsorted(blk_end, bids, side="right").astype(jnp.int32),
        num_rels - 1)

    pad_g = ec_g + NW * cg - n_edges
    pad_s = ec_s + NW * cs - n_edges
    src_g = jnp.concatenate([edge_index[0].astype(jnp.int32),
                             jnp.zeros((pad_g,), jnp.int32)])
    slot_g = jnp.concatenate([slot, jnp.full((pad_g,), e_pad, jnp.int32)])
    slot_s = jnp.concatenate([slot, jnp.zeros((pad_s,), jnp.int32)])
    dst_s = jnp.concatenate([edge_index[1].astype(jnp.int32),
                             jnp.full((pad_s,), n_nodes, jnp.int32)])

    h = _gather_kernel(ec_g, e_pad, d_in, cg)(src_g, slot_g, feat)

    def mm_body(brel_ref, h_ref, w_ref, m_ref):
        m_ref[...] = lax.dot_general(
            h_ref[...], w_ref[0], (((1,), (0,)), ((), ())),
            preferred_element_type=jnp.float32)

    grid_spec = pltpu.PrefetchScalarGridSpec(
        num_scalar_prefetch=1,
        grid=(nblk_max,),
        in_specs=[
            pl.BlockSpec((B, d_in), lambda b, brel: (b, 0)),
            pl.BlockSpec((1, d_in, d_out), lambda b, brel: (brel[b], 0, 0)),
        ],
        out_specs=pl.BlockSpec((B, d_out), lambda b, brel: (b, 0)),
    )
    m = pl.pallas_call(
        mm_body,
        grid_spec=grid_spec,
        out_shape=jax.ShapeDtypeStruct((e_pad, d_out), jnp.float32),
    )(brel, h, weight)

    zeros = jnp.zeros((nn_pad, d_out), jnp.float32)
    partials = _scatter_kernel(ec_s, e_pad, nn_pad, d_out, cs)(slot_s, dst_s, m, zeros)
    partials = partials.reshape(NC, nn_pad, d_out)

    rows_blk = 1000

    def add_body(a_ref, b_ref, o_ref):
        o_ref[...] = a_ref[0] + b_ref[0]

    out = pl.pallas_call(
        add_body,
        grid=(n_nodes // rows_blk,),
        in_specs=[
            pl.BlockSpec((1, rows_blk, d_out), lambda i: (0, i, 0)),
            pl.BlockSpec((1, rows_blk, d_out), lambda i: (1, i, 0)),
        ],
        out_specs=pl.BlockSpec((rows_blk, d_out), lambda i: (i, 0)),
        out_shape=jax.ShapeDtypeStruct((n_nodes, d_out), jnp.float32),
    )(partials, partials)
    return out

# --- scband reference (transcript-rebuilt; emitter-appended) ---
"""Pipeline reference for scband-rgcnsegment-mm-3908420239949 (READ-ONLY COPY).

The authoritative reference and input builder live on the scoring server;
editing this copy changes nothing except your own understanding.
"""

import jax, jax.numpy as jnp
import numpy as np

N_NODES = 10000
N_EDGES = 320000
NUM_RELS = 64
D_IN = 128
D_OUT = 128


def setup_inputs(seed: int = 0):
    key = jax.random.key(seed)
    k1, k2, k3, k4 = jax.random.split(key, 4)
    feat = jax.random.normal(k1, (N_NODES, D_IN), dtype=jnp.float32)
    edge_index = jax.random.randint(k2, (2, N_EDGES), 0, N_NODES, dtype=jnp.int32)
    etypes = jax.random.randint(k3, (N_EDGES,), 0, NUM_RELS, dtype=jnp.int32)
    weight = jax.random.normal(k4, (NUM_RELS, D_IN, D_OUT), dtype=jnp.float32) * (1.0 / np.sqrt(D_IN))
    return {"feat": feat, "edge_index": edge_index, "etypes": etypes, "weight": weight}


def reference(feat, edge_index, etypes, weight):
    # 1) sort edges by relation type (mirrors torch.sort + dgl.edge_subgraph relabel_nodes=False)
    order = jnp.argsort(etypes)
    etypes_s = etypes[order]
    src = edge_index[0][order]
    dst = edge_index[1][order]
    # 3) gather source features per edge (edges.src['h'])
    h = feat[src]
    # 4) segment_mm: each relation's edge block times its own weight matrix
    num_rels = weight.shape[0]
    m = jnp.zeros((N_EDGES, D_OUT), dtype=jnp.float32)
    for r in range(num_rels):
        m = jnp.where((etypes_s == r)[:, None], h @ weight[r], m)
    # 5) fn.sum('m','h'): scatter-add messages into destination nodes
    out = jax.ops.segment_sum(m, dst, num_segments=N_NODES)
    return out

if __name__ == "__main__":
    import jax
    _d = setup_inputs()
    print(jax.jit(kernel)(*tuple(_d.values())))

</pallas_src>

<mosaic_0001>
#map = affine_map<(d0, d1) -> (0)>
#map1 = affine_map<(d0, d1) -> (0, 0)>
module attributes {stable_mosaic.version = 14 : i64} {
  func.func @gather_k(%arg0: i32, %arg1: i32, %arg2: memref<331776xi32, #tpu.memory_space<hbm>>, %arg3: memref<331776xi32, #tpu.memory_space<hbm>>, %arg4: memref<10000x128xf32, #tpu.memory_space<hbm>>, %arg5: memref<352896x128xf32, #tpu.memory_space<hbm>>, %arg6: memref<128xi32, #tpu.memory_space<vmem>>, %arg7: memref<128xi32, #tpu.memory_space<vmem>>, %arg8: memref<128xi32, #tpu.memory_space<vmem>>, %arg9: memref<128xi32, #tpu.memory_space<vmem>>, %arg10: memref<2x128x128xf32, #tpu.memory_space<vmem>>, %arg11: memref<!tpu.dma_semaphore, #tpu.memory_space<semaphore_mem>>, %arg12: memref<!tpu.dma_semaphore, #tpu.memory_space<semaphore_mem>>, %arg13: memref<!tpu.dma_semaphore, #tpu.memory_space<semaphore_mem>>, %arg14: memref<!tpu.dma_semaphore, #tpu.memory_space<semaphore_mem>>, %arg15: memref<!tpu.dma_semaphore, #tpu.memory_space<semaphore_mem>>, %arg16: memref<!tpu.dma_semaphore, #tpu.memory_space<semaphore_mem>>) attributes {dimension_semantics = [#tpu.dimension_semantics<core_parallel>, #tpu.dimension_semantics<subcore_parallel>], iteration_bounds = array<i64: 2, 16>, scalar_prefetch = 0 : i64, scratch_operands = 11 : i64, tpu.core_type = #tpu.core_type<sc_vector_subcore>, window_params = [{transform_indices = #map}, {transform_indices = #map}, {transform_indices = #map1}, {transform_indices = #map1}]} {
    %mul3A = arith.constant 2 : i32
    %mul3A_0 = arith.muli %arg1, %mul3A : i32
    %add3A = arith.addi %mul3A_0, %arg0 : i32
    %add3A_1 = arith.constant 0 : i32
    %add3A_2 = arith.addi %add3A, %add3A_1 : i32
    %mul3A_3 = arith.constant 128 : i32
    %mul3A_4 = arith.muli %add3A_2, %mul3A_3 : i32
    %dma_start3A = tpu.memref_slice %arg2[%mul3A_4] : memref<331776xi32, #tpu.memory_space<hbm>> -> memref<128xi32, #tpu.memory_space<hbm>>
    %dma_start3A_5 = tpu.memref_slice %arg2[%mul3A_4] : memref<331776xi32, #tpu.memory_space<hbm>> -> memref<128xi32, #tpu.memory_space<hbm>>
    tpu.enqueue_dma source(%dma_start3A_5 : memref<128xi32, #tpu.memory_space<hbm>>) target(%arg6 : memref<128xi32, #tpu.memory_space<vmem>>) target_semaphore(%arg11 : memref<!tpu.dma_semaphore, #tpu.memory_space<semaphore_mem>>)
    %dma_start3A_6 = tpu.memref_slice %arg3[%mul3A_4] : memref<331776xi32, #tpu.memory_space<hbm>> -> memref<128xi32, #tpu.memory_space<hbm>>
    %dma_start3A_7 = tpu.memref_slice %arg3[%mul3A_4] : memref<331776xi32, #tpu.memory_space<hbm>> -> memref<128xi32, #tpu.memory_space<hbm>>
    tpu.enqueue_dma source(%dma_start3A_7 : memref<128xi32, #tpu.memory_space<hbm>>) target(%arg8 : memref<128xi32, #tpu.memory_space<vmem>>) target_semaphore(%arg11 : memref<!tpu.dma_semaphore, #tpu.memory_space<semaphore_mem>>)
    %add3A_8 = arith.constant 32 : i32
    %add3A_9 = arith.addi %add3A, %add3A_8 : i32
    %mul3A_10 = arith.constant 128 : i32
    %mul3A_11 = arith.muli %add3A_9, %mul3A_10 : i32
    %dma_start3A_12 = tpu.memref_slice %arg2[%mul3A_11] : memref<331776xi32, #tpu.memory_space<hbm>> -> memref<128xi32, #tpu.memory_space<hbm>>
    %dma_start3A_13 = tpu.memref_slice %arg2[%mul3A_11] : memref<331776xi32, #tpu.memory_space<hbm>> -> memref<128xi32, #tpu.memory_space<hbm>>
    tpu.enqueue_dma source(%dma_start3A_13 : memref<128xi32, #tpu.memory_space<hbm>>) target(%arg7 : memref<128xi32, #tpu.memory_space<vmem>>) target_semaphore(%arg12 : memref<!tpu.dma_semaphore, #tpu.memory_space<semaphore_mem>>)
    %dma_start3A_14 = tpu.memref_slice %arg3[%mul3A_11] : memref<331776xi32, #tpu.memory_space<hbm>> -> memref<128xi32, #tpu.memory_space<hbm>>
    %dma_start3A_15 = tpu.memref_slice %arg3[%mul3A_11] : memref<331776xi32, #tpu.memory_space<hbm>> -> memref<128xi32, #tpu.memory_space<hbm>>
    tpu.enqueue_dma source(%dma_start3A_15 : memref<128xi32, #tpu.memory_space<hbm>>) target(%arg9 : memref<128xi32, #tpu.memory_space<vmem>>) target_semaphore(%arg12 : memref<!tpu.dma_semaphore, #tpu.memory_space<semaphore_mem>>)
    %dma_wait3A = arith.constant 0 : i32
    %dma_wait3A_16 = tpu.memref_slice %arg2[%dma_wait3A] : memref<331776xi32, #tpu.memory_space<hbm>> -> memref<128xi32, #tpu.memory_space<hbm>>
    %dma_wait3A_17 = arith.constant 0 : i32
    %dma_wait3A_18 = tpu.memref_slice %arg2[%dma_wait3A_17] : memref<331776xi32, #tpu.memory_space<hbm>> -> memref<128xi32, #tpu.memory_space<hbm>>
    tpu.wait_dma2 semaphore(%arg11 : memref<!tpu.dma_semaphore, #tpu.memory_space<semaphore_mem>>) src(%dma_wait3A_18 : memref<128xi32, #tpu.memory_space<hbm>>) dst(%arg6 : memref<128xi32, #tpu.memory_space<vmem>>)
    %dma_wait3A_19 = arith.constant 0 : i32
    %dma_wait3A_20 = tpu.memref_slice %arg3[%dma_wait3A_19] : memref<331776xi32, #tpu.memory_space<hbm>> -> memref<128xi32, #tpu.memory_space<hbm>>
    %dma_wait3A_21 = arith.constant 0 : i32
    %dma_wait3A_22 = tpu.memref_slice %arg3[%dma_wait3A_21] : memref<331776xi32, #tpu.memory_space<hbm>> -> memref<128xi32, #tpu.memory_space<hbm>>
    tpu.wait_dma2 semaphore(%arg11 : memref<!tpu.dma_semaphore, #tpu.memory_space<semaphore_mem>>) src(%dma_wait3A_22 : memref<128xi32, #tpu.memory_space<hbm>>) dst(%arg8 : memref<128xi32, #tpu.memory_space<vmem>>)
    %dma_start3A_23 = arith.constant 0 : i32
    %dma_start3A_24 = arith.constant 0 : i32
    %dma_start3A_25 = arith.constant 0 : i32
    %dma_start3A_26 = tpu.memref_slice %arg10[%dma_start3A_23, %dma_start3A_24, %dma_start3A_25] : memref<2x128x128xf32, #tpu.memory_space<vmem>> -> memref<1x128x128xf32, #tpu.memory_space<vmem>>
    %dma_start3A_27 = tpu.memref_squeeze %dma_start3A_26 : memref<1x128x128xf32, #tpu.memory_space<vmem>> -> memref<128x128xf32, #tpu.memory_space<vmem>>
    %dma_start3A_28 = arith.constant 0 : i32
    %dma_start3A_29 = arith.constant 0 : i32
    %dma_start3A_30 = tpu.memref_slice %arg4[%dma_start3A_28, %dma_start3A_29] : memref<10000x128xf32, #tpu.memory_space<hbm>> -> memref<10000x128xf32, #tpu.memory_space<hbm>>
    tpu.enqueue_indirect_dma source(%dma_start3A_30 : memref<10000x128xf32, #tpu.memory_space<hbm>>) target(%dma_start3A_27 : memref<128x128xf32, #tpu.memory_space<vmem>>) offsets(%arg6 : memref<128xi32, #tpu.memory_space<vmem>>) semaphore(%arg13 : memref<!tpu.dma_semaphore, #tpu.memory_space<semaphore_mem>>)
    %dma_wait3A_31 = arith.constant 0 : i32
    %dma_wait3A_32 = arith.constant 0 : i32
    %dma_wait3A_33 = arith.constant 0 : i32
    %dma_wait3A_34 = tpu.memref_slice %arg10[%dma_wait3A_31, %dma_wait3A_32, %dma_wait3A_33] : memref<2x128x128xf32, #tpu.memory_space<vmem>> -> memref<1x128x128xf32, #tpu.memory_space<vmem>>
    %dma_wait3A_35 = tpu.memref_squeeze %dma_wait3A_34 : memref<1x128x128xf32, #tpu.memory_space<vmem>> -> memref<128x128xf32, #tpu.memory_space<vmem>>
    %dma_wait3A_36 = arith.constant 0 : i32
    %dma_wait3A_37 = arith.constant 0 : i32
    %dma_wait3A_38 = tpu.memref_slice %arg4[%dma_wait3A_36, %dma_wait3A_37] : memref<10000x128xf32, #tpu.memory_space<hbm>> -> memref<10000x128xf32, #tpu.memory_space<hbm>>
    tpu.wait_indirect_dma semaphore(%arg13 : memref<!tpu.dma_semaphore, #tpu.memory_space<semaphore_mem>>) src(%dma_wait3A_38 : memref<10000x128xf32, #tpu.memory_space<hbm>>) dst(%dma_wait3A_35 : memref<128x128xf32, #tpu.memory_space<vmem>>)
    %dma_start3A_39 = arith.constant 0 : i32
    %dma_start3A_40 = arith.constant 0 : i32
    %dma_start3A_41 = arith.constant 0 : i32
    %dma_start3A_42 = tpu.memref_slice %arg10[%dma_start3A_39, %dma_start3A_40, %dma_start3A_41] : memref<2x128x128xf32, #tpu.memory_space<vmem>> -> memref<1x128x128xf32, #tpu.memory_space<vmem>>
    %dma_start3A_43 = tpu.memref_squeeze %dma_start3A_42 : memref<1x128x128xf32, #tpu.memory_space<vmem>> -> memref<128x128xf32, #tpu.memory_space<vmem>>
    %dma_start3A_44 = arith.constant 0 : i32
    %dma_start3A_45 = arith.constant 0 : i32
    %dma_start3A_46 = tpu.memref_slice %arg5[%dma_start3A_44, %dma_start3A_45] : memref<352896x128xf32, #tpu.memory_space<hbm>> -> memref<352896x128xf32, #tpu.memory_space<hbm>>
    tpu.enqueue_indirect_dma source(%dma_start3A_43 : memref<128x128xf32, #tpu.memory_space<vmem>>) target(%dma_start3A_46 : memref<352896x128xf32, #tpu.memory_space<hbm>>) offsets(%arg8 : memref<128xi32, #tpu.memory_space<vmem>>) semaphore(%arg15 : memref<!tpu.dma_semaphore, #tpu.memory_space<semaphore_mem>>)
    %dma_wait3A_47 = arith.constant 0 : i32
    %dma_wait3A_48 = arith.constant 0 : i32
    %dma_wait3A_49 = arith.constant 0 : i32
    %dma_wait3A_50 = tpu.memref_slice %arg10[%dma_wait3A_47, %dma_wait3A_48, %dma_wait3A_49] : memref<2x128x128xf32, #tpu.memory_space<vmem>> -> memref<1x128x128xf32, #tpu.memory_space<vmem>>
    %dma_wait3A_51 = tpu.memref_squeeze %dma_wait3A_50 : memref<1x128x128xf32, #tpu.memory_space<vmem>> -> memref<128x128xf32, #tpu.memory_space<vmem>>
    %dma_wait3A_52 = arith.constant 0 : i32
    %dma_wait3A_53 = arith.constant 0 : i32
    %dma_wait3A_54 = tpu.memref_slice %arg5[%dma_wait3A_52, %dma_wait3A_53] : memref<352896x128xf32, #tpu.memory_space<hbm>> -> memref<352896x128xf32, #tpu.memory_space<hbm>>
    tpu.wait_indirect_dma semaphore(%arg15 : memref<!tpu.dma_semaphore, #tpu.memory_space<semaphore_mem>>) src(%dma_wait3A_51 : memref<128x128xf32, #tpu.memory_space<vmem>>) dst(%dma_wait3A_54 : memref<352896x128xf32, #tpu.memory_space<hbm>>)
    %add3A_55 = arith.constant 64 : i32
    %add3A_56 = arith.addi %add3A, %add3A_55 : i32
    %mul3A_57 = arith.constant 128 : i32
    %mul3A_58 = arith.muli %add3A_56, %mul3A_57 : i32
    %dma_start3A_59 = tpu.memref_slice %arg2[%mul3A_58] : memref<331776xi32, #tpu.memory_space<hbm>> -> memref<128xi32, #tpu.memory_space<hbm>>
    %dma_start3A_60 = tpu.memref_slice %arg2[%mul3A_58] : memref<331776xi32, #tpu.memory_space<hbm>> -> memref<128xi32, #tpu.memory_space<hbm>>
    tpu.enqueue_dma source(%dma_start3A_60 : memref<128xi32, #tpu.memory_space<hbm>>) target(%arg6 : memref<128xi32, #tpu.memory_space<vmem>>) target_semaphore(%arg11 : memref<!tpu.dma_semaphore, #tpu.memory_space<semaphore_mem>>)
    %dma_start3A_61 = tpu.memref_slice %arg3[%mul3A_58] : memref<331776xi32, #tpu.memory_space<hbm>> -> memref<128xi32, #tpu.memory_space<hbm>>
    %dma_start3A_62 = tpu.memref_slice %arg3[%mul3A_58] : memref<331776xi32, #tpu.memory_space<hbm>> -> memref<128xi32, #tpu.memory_space<hbm>>
    tpu.enqueue_dma source(%dma_start3A_62 : memref<128xi32, #tpu.memory_space<hbm>>) target(%arg8 : memref<128xi32, #tpu.memory_space<vmem>>) target_semaphore(%arg11 : memref<!tpu.dma_semaphore, #tpu.memory_space<semaphore_mem>>)
    %dma_wait3A_63 = arith.constant 0 : i32
    %dma_wait3A_64 = tpu.memref_slice %arg2[%dma_wait3A_63] : memref<331776xi32, #tpu.memory_space<hbm>> -> memref<128xi32, #tpu.memory_space<hbm>>
    %dma_wait3A_65 = arith.constant 0 : i32
    %dma_wait3A_66 = tpu.memref_slice %arg2[%dma_wait3A_65] : memref<331776xi32, #tpu.memory_space<hbm>> -> memref<128xi32, #tpu.memory_space<hbm>>
    tpu.wait_dma2 semaphore(%arg12 : memref<!tpu.dma_semaphore, #tpu.memory_space<semaphore_mem>>) src(%dma_wait3A_66 : memref<128xi32, #tpu.memory_space<hbm>>) dst(%arg7 : memref<128xi32, #tpu.memory_space<vmem>>)
    %dma_wait3A_67 = arith.constant 0 : i32
    %dma_wait3A_68 = tpu.memref_slice %arg3[%dma_wait3A_67] : memref<331776xi32, #tpu.memory_space<hbm>> -> memref<128xi32, #tpu.memory_space<hbm>>
    %dma_wait3A_69 = arith.constant 0 : i32
    %dma_wait3A_70 = tpu.memref_slice %arg3[%dma_wait3A_69] : memref<331776xi32, #tpu.memory_space<hbm>> -> memref<128xi32, #tpu.memory_space<hbm>>
    tpu.wait_dma2 semaphore(%arg12 : memref<!tpu.dma_semaphore, #tpu.memory_space<semaphore_mem>>) src(%dma_wait3A_70 : memref<128xi32, #tpu.memory_space<hbm>>) dst(%arg9 : memref<128xi32, #tpu.memory_space<vmem>>)
    %dma_start3A_71 = arith.constant 1 : i32
    %dma_start3A_72 = arith.constant 0 : i32
    %dma_start3A_73 = arith.constant 0 : i32
    %dma_start3A_74 = tpu.memref_slice %arg10[%dma_start3A_71, %dma_start3A_72, %dma_start3A_73] : memref<2x128x128xf32, #tpu.memory_space<vmem>> -> memref<1x128x128xf32, #tpu.memory_space<vmem>>
    %dma_start3A_75 = tpu.memref_squeeze %dma_start3A_74 : memref<1x128x128xf32, #tpu.memory_space<vmem>> -> memref<128x128xf32, #tpu.memory_space<vmem>>
    %dma_start3A_76 = arith.constant 0 : i32
    %dma_start3A_77 = arith.constant 0 : i32
    %dma_start3A_78 = tpu.memref_slice %arg4[%dma_start3A_76, %dma_start3A_77] : memref<10000x128xf32, #tpu.memory_space<hbm>> -> memref<10000x128xf32, #tpu.memory_space<hbm>>
    tpu.enqueue_indirect_dma source(%dma_start3A_78 : memref<10000x128xf32, #tpu.memory_space<hbm>>) target(%dma_start3A_75 : memref<128x128xf32, #tpu.memory_space<vmem>>) offsets(%arg7 : memref<128xi32, #tpu.memory_space<vmem>>) semaphore(%arg14 : memref<!tpu.dma_semaphore, #tpu.memory_space<semaphore_mem>>)
    %dma_wait3A_79 = arith.constant 1 : i32
    %dma_wait3A_80 = arith.constant 0 : i32
    %dma_wait3A_81 = arith.constant 0 : i32
    %dma_wait3A_82 = tpu.memref_slice %arg10[%dma_wait3A_79, %dma_wait3A_80, %dma_wait3A_81] : memref<2x128x128xf32, #tpu.memory_space<vmem>> -> memref<1x128x128xf32, #tpu.memory_space<vmem>>
    %dma_wait3A_83 = tpu.memref_squeeze %dma_wait3A_82 : memref<1x128x128xf32, #tpu.memory_space<vmem>> -> memref<128x128xf32, #tpu.memory_space<vmem>>
    %dma_wait3A_84 = arith.constant 0 : i32
    %dma_wait3A_85 = arith.constant 0 : i32
    %dma_wait3A_86 = tpu.memref_slice %arg4[%dma_wait3A_84, %dma_wait3A_85] : memref<10000x128xf32, #tpu.memory_space<hbm>> -> memref<10000x128xf32, #tpu.memory_space<hbm>>
    tpu.wait_indirect_dma semaphore(%arg14 : memref<!tpu.dma_semaphore, #tpu.memory_space<semaphore_mem>>) src(%dma_wait3A_86 : memref<10000x128xf32, #tpu.memory_space<hbm>>) dst(%dma_wait3A_83 : memref<128x128xf32, #tpu.memory_space<vmem>>)
    %dma_start3A_87 = arith.constant 1 : i32
    %dma_start3A_88 = arith.constant 0 : i32
    %dma_start3A_89 = arith.constant 0 : i32
    %dma_start3A_90 = tpu.memref_slice %arg10[%dma_start3A_87, %dma_start3A_88, %dma_start3A_89] : memref<2x128x128xf32, #tpu.memory_space<vmem>> -> memref<1x128x128xf32, #tpu.memory_space<vmem>>
    %dma_start3A_91 = tpu.memref_squeeze %dma_start3A_90 : memref<1x128x128xf32, #tpu.memory_space<vmem>> -> memref<128x128xf32, #tpu.memory_space<vmem>>
    %dma_start3A_92 = arith.constant 0 : i32
    %dma_start3A_93 = arith.constant 0 : i32
    %dma_start3A_94 = tpu.memref_slice %arg5[%dma_start3A_92, %dma_start3A_93] : memref<352896x128xf32, #tpu.memory_space<hbm>> -> memref<352896x128xf32, #tpu.memory_space<hbm>>
    tpu.enqueue_indirect_dma source(%dma_start3A_91 : memref<128x128xf32, #tpu.memory_space<vmem>>) target(%dma_start3A_94 : memref<352896x128xf32, #tpu.memory_space<hbm>>) offsets(%arg9 : memref<128xi32, #tpu.memory_space<vmem>>) semaphore(%arg16 : memref<!tpu.dma_semaphore, #tpu.memory_space<semaphore_mem>>)
    %scan3A = arith.constant 0 : i32
    %scan3A_95 = arith.constant 1 : i32
    %scan3A_96 = arith.constant 38 : i32
    %scan3A_97 = arith.addi %scan3A_95, %scan3A_96 : i32
    %scan3A_98 = arith.constant 1 : i32
    scf.for %scan3A_196 = %scan3A_95 to %scan3A_97 step %scan3A_98  : i32 {
      %mul3A_197 = arith.constant 2 : i32
      %mul3A_198 = arith.muli %mul3A_197, %scan3A_196 : i32
      %dma_wait3A_199 = arith.constant 1 : i32
      %dma_wait3A_200 = arith.constant 0 : i32
      %dma_wait3A_201 = arith.constant 0 : i32
      %dma_wait3A_202 = tpu.memref_slice %arg10[%dma_wait3A_199, %dma_wait3A_200, %dma_wait3A_201] : memref<2x128x128xf32, #tpu.memory_space<vmem>> -> memref<1x128x128xf32, #tpu.memory_space<vmem>>
      %dma_wait3A_203 = tpu.memref_squeeze %dma_wait3A_202 : memref<1x128x128xf32, #tpu.memory_space<vmem>> -> memref<128x128xf32, #tpu.memory_space<vmem>>
      %dma_wait3A_204 = arith.constant 0 : i32
      %dma_wait3A_205 = arith.constant 0 : i32
      %dma_wait3A_206 = tpu.memref_slice %arg5[%dma_wait3A_204, %dma_wait3A_205] : memref<352896x128xf32, #tpu.memory_space<hbm>> -> memref<352896x128xf32, #tpu.memory_space<hbm>>
      tpu.wait_indirect_dma semaphore(%arg16 : memref<!tpu.dma_semaphore, #tpu.memory_space<semaphore_mem>>) src(%dma_wait3A_203 : memref<128x128xf32, #tpu.memory_space<vmem>>) dst(%dma_wait3A_206 : memref<352896x128xf32, #tpu.memory_space<hbm>>)
      %add3A_207 = arith.constant 1 : i32
      %add3A_208 = arith.addi %mul3A_198, %add3A_207 : i32
      %mul3A_209 = arith.constant 32 : i32
      %mul3A_210 = arith.muli %add3A_208, %mul3A_209 : i32
      %add3A_211 = arith.addi %add3A, %mul3A_210 : i32
      %mul3A_212 = arith.constant 128 : i32
      %mul3A_213 = arith.muli %add3A_211, %mul3A_212 : i32
      %dma_start3A_214 = tpu.memref_slice %arg2[%mul3A_213] : memref<331776xi32, #tpu.memory_space<hbm>> -> memref<128xi32, #tpu.memory_space<hbm>>
      %dma_start3A_215 = tpu.memref_slice %arg2[%mul3A_213] : memref<331776xi32, #tpu.memory_space<hbm>> -> memref<128xi32, #tpu.memory_space<hbm>>
      tpu.enqueue_dma source(%dma_start3A_215 : memref<128xi32, #tpu.memory_space<hbm>>) target(%arg7 : memref<128xi32, #tpu.memory_space<vmem>>) target_semaphore(%arg12 : memref<!tpu.dma_semaphore, #tpu.memory_space<semaphore_mem>>)
      %dma_start3A_216 = tpu.memref_slice %arg3[%mul3A_213] : memref<331776xi32, #tpu.memory_space<hbm>> -> memref<128xi32, #tpu.memory_space<hbm>>
      %dma_start3A_217 = tpu.memref_slice %arg3[%mul3A_213] : memref<331776xi32, #tpu.memory_space<hbm>> -> memref<128xi32, #tpu.memory_space<hbm>>
      tpu.enqueue_dma source(%dma_start3A_217 : memref<128xi32, #tpu.memory_space<hbm>>) target(%arg9 : memref<128xi32, #tpu.memory_space<vmem>>) target_semaphore(%arg12 : memref<!tpu.dma_semaphore, #tpu.memory_space<semaphore_mem>>)
      %dma_wait3A_218 = arith.constant 0 : i32
      %dma_wait3A_219 = tpu.memref_slice %arg2[%dma_wait3A_218] : memref<331776xi32, #tpu.memory_space<hbm>> -> memref<128xi32, #tpu.memory_space<hbm>>
      %dma_wait3A_220 = arith.constant 0 : i32
      %dma_wait3A_221 = tpu.memref_slice %arg2[%dma_wait3A_220] : memref<331776xi32, #tpu.memory_space<hbm>> -> memref<128xi32, #tpu.memory_space<hbm>>
      tpu.wait_dma2 semaphore(%arg11 : memref<!tpu.dma_semaphore, #tpu.memory_space<semaphore_mem>>) src(%dma_wait3A_221 : memref<128xi32, #tpu.memory_space<hbm>>) dst(%arg6 : memref<128xi32, #tpu.memory_space<vmem>>)
      %dma_wait3A_222 = arith.constant 0 : i32
      %dma_wait3A_223 = tpu.memref_slice %arg3[%dma_wait3A_222] : memref<331776xi32, #tpu.memory_space<hbm>> -> memref<128xi32, #tpu.memory_space<hbm>>
      %dma_wait3A_224 = arith.constant 0 : i32
      %dma_wait3A_225 = tpu.memref_slice %arg3[%dma_wait3A_224] : memref<331776xi32, #tpu.memory_space<hbm>> -> memref<128xi32, #tpu.memory_space<hbm>>
      tpu.wait_dma2 semaphore(%arg11 : memref<!tpu.dma_semaphore, #tpu.memory_space<semaphore_mem>>) src(%dma_wait3A_225 : memref<128xi32, #tpu.memory_space<hbm>>) dst(%arg8 : memref<128xi32, #tpu.memory_space<vmem>>)
      %dma_start3A_226 = arith.constant 0 : i32
      %dma_start3A_227 = arith.constant 0 : i32
      %dma_start3A_228 = arith.constant 0 : i32
      %dma_start3A_229 = tpu.memref_slice %arg10[%dma_start3A_226, %dma_start3A_227, %dma_start3A_228] : memref<2x128x128xf32, #tpu.memory_space<vmem>> -> memref<1x128x128xf32, #tpu.memory_space<vmem>>
      %dma_start3A_230 = tpu.memref_squeeze %dma_start3A_229 : memref<1x128x128xf32, #tpu.memory_space<vmem>> -> memref<128x128xf32, #tpu.memory_space<vmem>>
      %dma_start3A_231 = arith.constant 0 : i32
      %dma_start3A_232 = arith.constant 0 : i32
      %dma_start3A_233 = tpu.memref_slice %arg4[%dma_start3A_231, %dma_start3A_232] : memref<10000x128xf32, #tpu.memory_space<hbm>> -> memref<10000x128xf32, #tpu.memory_space<hbm>>
      tpu.enqueue_indirect_dma source(%dma_start3A_233 : memref<10000x128xf32, #tpu.memory_space<hbm>>) target(%dma_start3A_230 : memref<128x128xf32, #tpu.memory_space<vmem>>) offsets(%arg6 : memref<128xi32, #tpu.memory_space<vmem>>) semaphore(%arg13 : memref<!tpu.dma_semaphore, #tpu.memory_space<semaphore_mem>>)
      %dma_wait3A_234 = arith.constant 0 : i32
      %dma_wait3A_235 = arith.constant 0 : i32
      %dma_wait3A_236 = arith.constant 0 : i32
      %dma_wait3A_237 = tpu.memref_slice %arg10[%dma_wait3A_234, %dma_wait3A_235, %dma_wait3A_236] : memref<2x128x128xf32, #tpu.memory_space<vmem>> -> memref<1x128x128xf32, #tpu.memory_space<vmem>>
      %dma_wait3A_238 = tpu.memref_squeeze %dma_wait3A_237 : memref<1x128x128xf32, #tpu.memory_space<vmem>> -> memref<128x128xf32, #tpu.memory_space<vmem>>
      %dma_wait3A_239 = arith.constant 0 : i32
      %dma_wait3A_240 = arith.constant 0 : i32
      %dma_wait3A_241 = tpu.memref_slice %arg4[%dma_wait3A_239, %dma_wait3A_240] : memref<10000x128xf32, #tpu.memory_space<hbm>> -> memref<10000x128xf32, #tpu.memory_space<hbm>>
      tpu.wait_indirect_dma semaphore(%arg13 : memref<!tpu.dma_semaphore, #tpu.memory_space<semaphore_mem>>) src(%dma_wait3A_241 : memref<10000x128xf32, #tpu.memory_space<hbm>>) dst(%dma_wait3A_238 : memref<128x128xf32, #tpu.memory_space<vmem>>)
      %dma_start3A_242 = arith.constant 0 : i32
      %dma_start3A_243 = arith.constant 0 : i32
      %dma_start3A_244 = arith.constant 0 : i32
      %dma_start3A_245 = tpu.memref_slice %arg10[%dma_start3A_242, %dma_start3A_243, %dma_start3A_244] : memref<2x128x128xf32, #tpu.memory_space<vmem>> -> memref<1x128x128xf32, #tpu.memory_space<vmem>>
      %dma_start3A_246 = tpu.memref_squeeze %dma_start3A_245 : memref<1x128x128xf32, #tpu.memory_space<vmem>> -> memref<128x128xf32, #tpu.memory_space<vmem>>
      %dma_start3A_247 = arith.constant 0 : i32
      %dma_start3A_248 = arith.constant 0 : i32
      %dma_start3A_249 = tpu.memref_slice %arg5[%dma_start3A_247, %dma_start3A_248] : memref<352896x128xf32, #tpu.memory_space<hbm>> -> memref<352896x128xf32, #tpu.memory_space<hbm>>
      tpu.enqueue_indirect_dma source(%dma_start3A_246 : memref<128x128xf32, #tpu.memory_space<vmem>>) target(%dma_start3A_249 : memref<352896x128xf32, #tpu.memory_space<hbm>>) offsets(%arg8 : memref<128xi32, #tpu.memory_space<vmem>>) semaphore(%arg15 : memref<!tpu.dma_semaphore, #tpu.memory_space<semaphore_mem>>)
      %mul3A_250 = arith.constant 2 : i32
      %mul3A_251 = arith.muli %mul3A_250, %scan3A_196 : i32
      %add3A_252 = arith.constant 1 : i32
      %add3A_253 = arith.addi %mul3A_251, %add3A_252 : i32
      %dma_wait3A_254 = arith.constant 0 : i32
      %dma_wait3A_255 = arith.constant 0 : i32
      %dma_wait3A_256 = arith.constant 0 : i32
      %dma_wait3A_257 = tpu.memref_slice %arg10[%dma_wait3A_254, %dma_wait3A_255, %dma_wait3A_256] : memref<2x128x128xf32, #tpu.memory_space<vmem>> -> memref<1x128x128xf32, #tpu.memory_space<vmem>>
      %dma_wait3A_258 = tpu.memref_squeeze %dma_wait3A_257 : memref<1x128x128xf32, #tpu.memory_space<vmem>> -> memref<128x128xf32, #tpu.memory_space<vmem>>
      %dma_wait3A_259 = arith.constant 0 : i32
      %dma_wait3A_260 = arith.constant 0 : i32
      %dma_wait3A_261 = tpu.memref_slice %arg5[%dma_wait3A_259, %dma_wait3A_260] : memref<352896x128xf32, #tpu.memory_space<hbm>> -> memref<352896x128xf32, #tpu.memory_space<hbm>>
      tpu.wait_indirect_dma semaphore(%arg15 : memref<!tpu.dma_semaphore, #tpu.memory_space<semaphore_mem>>) src(%dma_wait3A_258 : memref<128x128xf32, #tpu.memory_space<vmem>>) dst(%dma_wait3A_261 : memref<352896x128xf32, #tpu.memory_space<hbm>>)
      %add3A_262 = arith.constant 1 : i32
      %add3A_263 = arith.addi %add3A_253, %add3A_262 : i32
      %mul3A_264 = arith.constant 32 : i32
      %mul3A_265 = arith.muli %add3A_263, %mul3A_264 : i32
      %add3A_266 = arith.addi %add3A, %mul3A_265 : i32
      %mul3A_267 = arith.constant 128 : i32
      %mul3A_268 = arith.muli %add3A_266, %mul3A_267 : i32
      %dma_start3A_269 = tpu.memref_slice %arg2[%mul3A_268] : memref<331776xi32, #tpu.memory_space<hbm>> -> memref<128xi32, #tpu.memory_space<hbm>>
      %dma_start3A_270 = tpu.memref_slice %arg2[%mul3A_268] : memref<331776xi32, #tpu.memory_space<hbm>> -> memref<128xi32, #tpu.memory_space<hbm>>
      tpu.enqueue_dma source(%dma_start3A_270 : memref<128xi32, #tpu.memory_space<hbm>>) target(%arg6 : memref<128xi32, #tpu.memory_space<vmem>>) target_semaphore(%arg11 : memref<!tpu.dma_semaphore, #tpu.memory_space<semaphore_mem>>)
      %dma_start3A_271 = tpu.memref_slice %arg3[%mul3A_268] : memref<331776xi32, #tpu.memory_space<hbm>> -> memref<128xi32, #tpu.memory_space<hbm>>
      %dma_start3A_272 = tpu.memref_slice %arg3[%mul3A_268] : memref<331776xi32, #tpu.memory_space<hbm>> -> memref<128xi32, #tpu.memory_space<hbm>>
      tpu.enqueue_dma source(%dma_start3A_272 : memref<128xi32, #tpu.memory_space<hbm>>) target(%arg8 : memref<128xi32, #tpu.memory_space<vmem>>) target_semaphore(%arg11 : memref<!tpu.dma_semaphore, #tpu.memory_space<semaphore_mem>>)
      %dma_wait3A_273 = arith.constant 0 : i32
      %dma_wait3A_274 = tpu.memref_slice %arg2[%dma_wait3A_273] : memref<331776xi32, #tpu.memory_space<hbm>> -> memref<128xi32, #tpu.memory_space<hbm>>
      %dma_wait3A_275 = arith.constant 0 : i32
      %dma_wait3A_276 = tpu.memref_slice %arg2[%dma_wait3A_275] : memref<331776xi32, #tpu.memory_space<hbm>> -> memref<128xi32, #tpu.memory_space<hbm>>
      tpu.wait_dma2 semaphore(%arg12 : memref<!tpu.dma_semaphore, #tpu.memory_space<semaphore_mem>>) src(%dma_wait3A_276 : memref<128xi32, #tpu.memory_space<hbm>>) dst(%arg7 : memref<128xi32, #tpu.memory_space<vmem>>)
      %dma_wait3A_277 = arith.constant 0 : i32
      %dma_wait3A_278 = tpu.memref_slice %arg3[%dma_wait3A_277] : memref<331776xi32, #tpu.memory_space<hbm>> -> memref<128xi32, #tpu.memory_space<hbm>>
      %dma_wait3A_279 = arith.constant 0 : i32
      %dma_wait3A_280 = tpu.memref_slice %arg3[%dma_wait3A_279] : memref<331776xi32, #tpu.memory_space<hbm>> -> memref<128xi32, #tpu.memory_space<hbm>>
      tpu.wait_dma2 semaphore(%arg12 : memref<!tpu.dma_semaphore, #tpu.memory_space<semaphore_mem>>) src(%dma_wait3A_280 : memref<128xi32, #tpu.memory_space<hbm>>) dst(%arg9 : memref<128xi32, #tpu.memory_space<vmem>>)
      %dma_start3A_281 = arith.constant 1 : i32
      %dma_start3A_282 = arith.constant 0 : i32
      %dma_start3A_283 = arith.constant 0 : i32
      %dma_start3A_284 = tpu.memref_slice %arg10[%dma_start3A_281, %dma_start3A_282, %dma_start3A_283] : memref<2x128x128xf32, #tpu.memory_space<vmem>> -> memref<1x128x128xf32, #tpu.memory_space<vmem>>
      %dma_start3A_285 = tpu.memref_squeeze %dma_start3A_284 : memref<1x128x128xf32, #tpu.memory_space<vmem>> -> memref<128x128xf32, #tpu.memory_space<vmem>>
      %dma_start3A_286 = arith.constant 0 : i32
      %dma_start3A_287 = arith.constant 0 : i32
      %dma_start3A_288 = tpu.memref_slice %arg4[%dma_start3A_286, %dma_start3A_287] : memref<10000x128xf32, #tpu.memory_space<hbm>> -> memref<10000x128xf32, #tpu.memory_space<hbm>>
      tpu.enqueue_indirect_dma source(%dma_start3A_288 : memref<10000x128xf32, #tpu.memory_space<hbm>>) target(%dma_start3A_285 : memref<128x128xf32, #tpu.memory_space<vmem>>) offsets(%arg7 : memref<128xi32, #tpu.memory_space<vmem>>) semaphore(%arg14 : memref<!tpu.dma_semaphore, #tpu.memory_space<semaphore_mem>>)
      %dma_wait3A_289 = arith.constant 1 : i32
      %dma_wait3A_290 = arith.constant 0 : i32
      %dma_wait3A_291 = arith.constant 0 : i32
      %dma_wait3A_292 = tpu.memref_slice %arg10[%dma_wait3A_289, %dma_wait3A_290, %dma_wait3A_291] : memref<2x128x128xf32, #tpu.memory_space<vmem>> -> memref<1x128x128xf32, #tpu.memory_space<vmem>>
      %dma_wait3A_293 = tpu.memref_squeeze %dma_wait3A_292 : memref<1x128x128xf32, #tpu.memory_space<vmem>> -> memref<128x128xf32, #tpu.memory_space<vmem>>
      %dma_wait3A_294 = arith.constant 0 : i32
      %dma_wait3A_295 = arith.constant 0 : i32
      %dma_wait3A_296 = tpu.memref_slice %arg4[%dma_wait3A_294, %dma_wait3A_295] : memref<10000x128xf32, #tpu.memory_space<hbm>> -> memref<10000x128xf32, #tpu.memory_space<hbm>>
      tpu.wait_indirect_dma semaphore(%arg14 : memref<!tpu.dma_semaphore, #tpu.memory_space<semaphore_mem>>) src(%dma_wait3A_296 : memref<10000x128xf32, #tpu.memory_space<hbm>>) dst(%dma_wait3A_293 : memref<128x128xf32, #tpu.memory_space<vmem>>)
      %dma_start3A_297 = arith.constant 1 : i32
      %dma_start3A_298 = arith.constant 0 : i32
      %dma_start3A_299 = arith.constant 0 : i32
      %dma_start3A_300 = tpu.memref_slice %arg10[%dma_start3A_297, %dma_start3A_298, %dma_start3A_299] : memref<2x128x128xf32, #tpu.memory_space<vmem>> -> memref<1x128x128xf32, #tpu.memory_space<vmem>>
      %dma_start3A_301 = tpu.memref_squeeze %dma_start3A_300 : memref<1x128x128xf32, #tpu.memory_space<vmem>> -> memref<128x128xf32, #tpu.memory_space<vmem>>
      %dma_start3A_302 = arith.constant 0 : i32
      %dma_start3A_303 = arith.constant 0 : i32
      %dma_start3A_304 = tpu.memref_slice %arg5[%dma_start3A_302, %dma_start3A_303] : memref<352896x128xf32, #tpu.memory_space<hbm>> -> memref<352896x128xf32, #tpu.memory_space<hbm>>
      tpu.enqueue_indirect_dma source(%dma_start3A_301 : memref<128x128xf32, #tpu.memory_space<vmem>>) target(%dma_start3A_304 : memref<352896x128xf32, #tpu.memory_space<hbm>>) offsets(%arg9 : memref<128xi32, #tpu.memory_space<vmem>>) semaphore(%arg16 : memref<!tpu.dma_semaphore, #tpu.memory_space<semaphore_mem>>)
    }
    %scan3A_99 = arith.constant 38 : i32
    %dma_wait3A_100 = arith.constant 1 : i32
    %dma_wait3A_101 = arith.constant 0 : i32
    %dma_wait3A_102 = arith.constant 0 : i32
    %dma_wait3A_103 = tpu.memref_slice %arg10[%dma_wait3A_100, %dma_wait3A_101, %dma_wait3A_102] : memref<2x128x128xf32, #tpu.memory_space<vmem>> -> memref<1x128x128xf32, #tpu.memory_space<vmem>>
    %dma_wait3A_104 = tpu.memref_squeeze %dma_wait3A_103 : memref<1x128x128xf32, #tpu.memory_space<vmem>> -> memref<128x128xf32, #tpu.memory_space<vmem>>
    %dma_wait3A_105 = arith.constant 0 : i32
    %dma_wait3A_106 = arith.constant 0 : i32
    %dma_wait3A_107 = tpu.memref_slice %arg5[%dma_wait3A_105, %dma_wait3A_106] : memref<352896x128xf32, #tpu.memory_space<hbm>> -> memref<352896x128xf32, #tpu.memory_space<hbm>>
    tpu.wait_indirect_dma semaphore(%arg16 : memref<!tpu.dma_semaphore, #tpu.memory_space<semaphore_mem>>) src(%dma_wait3A_104 : memref<128x128xf32, #tpu.memory_space<vmem>>) dst(%dma_wait3A_107 : memref<352896x128xf32, #tpu.memory_space<hbm>>)
    %add3A_108 = arith.constant 2528 : i32
    %add3A_109 = arith.addi %add3A, %add3A_108 : i32
    %mul3A_110 = arith.constant 128 : i32
    %mul3A_111 = arith.muli %add3A_109, %mul3A_110 : i32
    %dma_start3A_112 = tpu.memref_slice %arg2[%mul3A_111] : memref<331776xi32, #tpu.memory_space<hbm>> -> memref<128xi32, #tpu.memory_space<hbm>>
    %dma_start3A_113 = tpu.memref_slice %arg2[%mul3A_111] : memref<331776xi32, #tpu.memory_space<hbm>> -> memref<128xi32, #tpu.memory_space<hbm>>
    tpu.enqueue_dma source(%dma_start3A_113 : memref<128xi32, #tpu.memory_space<hbm>>) target(%arg7 : memref<128xi32, #tpu.memory_space<vmem>>) target_semaphore(%arg12 : memref<!tpu.dma_semaphore, #tpu.memory_space<semaphore_mem>>)
    %dma_start3A_114 = tpu.memref_slice %arg3[%mul3A_111] : memref<331776xi32, #tpu.memory_space<hbm>> -> memref<128xi32, #tpu.memory_space<hbm>>
    %dma_start3A_115 = tpu.memref_slice %arg3[%mul3A_111] : memref<331776xi32, #tpu.memory_space<hbm>> -> memref<128xi32, #tpu.memory_space<hbm>>
    tpu.enqueue_dma source(%dma_start3A_115 : memref<128xi32, #tpu.memory_space<hbm>>) target(%arg9 : memref<128xi32, #tpu.memory_space<vmem>>) target_semaphore(%arg12 : memref<!tpu.dma_semaphore, #tpu.memory_space<semaphore_mem>>)
    %dma_wait3A_116 = arith.constant 0 : i32
    %dma_wait3A_117 = tpu.memref_slice %arg2[%dma_wait3A_116] : memref<331776xi32, #tpu.memory_space<hbm>> -> memref<128xi32, #tpu.memory_space<hbm>>
    %dma_wait3A_118 = arith.constant 0 : i32
    %dma_wait3A_119 = tpu.memref_slice %arg2[%dma_wait3A_118] : memref<331776xi32, #tpu.memory_space<hbm>> -> memref<128xi32, #tpu.memory_space<hbm>>
    tpu.wait_dma2 semaphore(%arg11 : memref<!tpu.dma_semaphore, #tpu.memory_space<semaphore_mem>>) src(%dma_wait3A_119 : memref<128xi32, #tpu.memory_space<hbm>>) dst(%arg6 : memref<128xi32, #tpu.memory_space<vmem>>)
    %dma_wait3A_120 = arith.constant 0 : i32
    %dma_wait3A_121 = tpu.memref_slice %arg3[%dma_wait3A_120] : memref<331776xi32, #tpu.memory_space<hbm>> -> memref<128xi32, #tpu.memory_space<hbm>>
    %dma_wait3A_122 = arith.constant 0 : i32
    %dma_wait3A_123 = tpu.memref_slice %arg3[%dma_wait3A_122] : memref<331776xi32, #tpu.memory_space<hbm>> -> memref<128xi32, #tpu.memory_space<hbm>>
    tpu.wait_dma2 semaphore(%arg11 : memref<!tpu.dma_semaphore, #tpu.memory_space<semaphore_mem>>) src(%dma_wait3A_123 : memref<128xi32, #tpu.memory_space<hbm>>) dst(%arg8 : memref<128xi32, #tpu.memory_space<vmem>>)
    %dma_start3A_124 = arith.constant 0 : i32
    %dma_start3A_125 = arith.constant 0 : i32
    %dma_start3A_126 = arith.constant 0 : i32
    %dma_start3A_127 = tpu.memref_slice %arg10[%dma_start3A_124, %dma_start3A_125, %dma_start3A_126] : memref<2x128x128xf32, #tpu.memory_space<vmem>> -> memref<1x128x128xf32, #tpu.memory_space<vmem>>
    %dma_start3A_128 = tpu.memref_squeeze %dma_start3A_127 : memref<1x128x128xf32, #tpu.memory_space<vmem>> -> memref<128x128xf32, #tpu.memory_space<vmem>>
    %dma_start3A_129 = arith.constant 0 : i32
    %dma_start3A_130 = arith.constant 0 : i32
    %dma_start3A_131 = tpu.memref_slice %arg4[%dma_start3A_129, %dma_start3A_130] : memref<10000x128xf32, #tpu.memory_space<hbm>> -> memref<10000x128xf32, #tpu.memory_space<hbm>>
    tpu.enqueue_indirect_dma source(%dma_start3A_131 : memref<10000x128xf32, #tpu.memory_space<hbm>>) target(%dma_start3A_128 : memref<128x128xf32, #tpu.memory_space<vmem>>) offsets(%arg6 : memref<128xi32, #tpu.memory_space<vmem>>) semaphore(%arg13 : memref<!tpu.dma_semaphore, #tpu.memory_space<semaphore_mem>>)
    %dma_wait3A_132 = arith.constant 0 : i32
    %dma_wait3A_133 = arith.constant 0 : i32
    %dma_wait3A_134 = arith.constant 0 : i32
    %dma_wait3A_135 = tpu.memref_slice %arg10[%dma_wait3A_132, %dma_wait3A_133, %dma_wait3A_134] : memref<2x128x128xf32, #tpu.memory_space<vmem>> -> memref<1x128x128xf32, #tpu.memory_space<vmem>>
    %dma_wait3A_136 = tpu.memref_squeeze %dma_wait3A_135 : memref<1x128x128xf32, #tpu.memory_space<vmem>> -> memref<128x128xf32, #tpu.memory_space<vmem>>
    %dma_wait3A_137 = arith.constant 0 : i32
    %dma_wait3A_138 = arith.constant 0 : i32
    %dma_wait3A_139 = tpu.memref_slice %arg4[%dma_wait3A_137, %dma_wait3A_138] : memref<10000x128xf32, #tpu.memory_space<hbm>> -> memref<10000x128xf32, #tpu.memory_space<hbm>>
    tpu.wait_indirect_dma semaphore(%arg13 : memref<!tpu.dma_semaphore, #tpu.memory_space<semaphore_mem>>) src(%dma_wait3A_139 : memref<10000x128xf32, #tpu.memory_space<hbm>>) dst(%dma_wait3A_136 : memref<128x128xf32, #tpu.memory_space<vmem>>)
    %dma_start3A_140 = arith.constant 0 : i32
    %dma_start3A_141 = arith.constant 0 : i32
    %dma_start3A_142 = arith.constant 0 : i32
    %dma_start3A_143 = tpu.memref_slice %arg10[%dma_start3A_140, %dma_start3A_141, %dma_start3A_142] : memref<2x128x128xf32, #tpu.memory_space<vmem>> -> memref<1x128x128xf32, #tpu.memory_space<vmem>>
    %dma_start3A_144 = tpu.memref_squeeze %dma_start3A_143 : memref<1x128x128xf32, #tpu.memory_space<vmem>> -> memref<128x128xf32, #tpu.memory_space<vmem>>
    %dma_start3A_145 = arith.constant 0 : i32
    %dma_start3A_146 = arith.constant 0 : i32
    %dma_start3A_147 = tpu.memref_slice %arg5[%dma_start3A_145, %dma_start3A_146] : memref<352896x128xf32, #tpu.memory_space<hbm>> -> memref<352896x128xf32, #tpu.memory_space<hbm>>
    tpu.enqueue_indirect_dma source(%dma_start3A_144 : memref<128x128xf32, #tpu.memory_space<vmem>>) target(%dma_start3A_147 : memref<352896x128xf32, #tpu.memory_space<hbm>>) offsets(%arg8 : memref<128xi32, #tpu.memory_space<vmem>>) semaphore(%arg15 : memref<!tpu.dma_semaphore, #tpu.memory_space<semaphore_mem>>)
    %dma_wait3A_148 = arith.constant 0 : i32
    %dma_wait3A_149 = arith.constant 0 : i32
    %dma_wait3A_150 = arith.constant 0 : i32
    %dma_wait3A_151 = tpu.memref_slice %arg10[%dma_wait3A_148, %dma_wait3A_149, %dma_wait3A_150] : memref<2x128x128xf32, #tpu.memory_space<vmem>> -> memref<1x128x128xf32, #tpu.memory_space<vmem>>
    %dma_wait3A_152 = tpu.memref_squeeze %dma_wait3A_151 : memref<1x128x128xf32, #tpu.memory_space<vmem>> -> memref<128x128xf32, #tpu.memory_space<vmem>>
    %dma_wait3A_153 = arith.constant 0 : i32
    %dma_wait3A_154 = arith.constant 0 : i32
    %dma_wait3A_155 = tpu.memref_slice %arg5[%dma_wait3A_153, %dma_wait3A_154] : memref<352896x128xf32, #tpu.memory_space<hbm>> -> memref<352896x128xf32, #tpu.memory_space<hbm>>
    tpu.wait_indirect_dma semaphore(%arg15 : memref<!tpu.dma_semaphore, #tpu.memory_space<semaphore_mem>>) src(%dma_wait3A_152 : memref<128x128xf32, #tpu.memory_space<vmem>>) dst(%dma_wait3A_155 : memref<352896x128xf32, #tpu.memory_space<hbm>>)
    %dma_wait3A_156 = arith.constant 0 : i32
    %dma_wait3A_157 = tpu.memref_slice %arg2[%dma_wait3A_156] : memref<331776xi32, #tpu.memory_space<hbm>> -> memref<128xi32, #tpu.memory_space<hbm>>
    %dma_wait3A_158 = arith.constant 0 : i32
    %dma_wait3A_159 = tpu.memref_slice %arg2[%dma_wait3A_158] : memref<331776xi32, #tpu.memory_space<hbm>> -> memref<128xi32, #tpu.memory_space<hbm>>
    tpu.wait_dma2 semaphore(%arg12 : memref<!tpu.dma_semaphore, #tpu.memory_space<semaphore_mem>>) src(%dma_wait3A_159 : memref<128xi32, #tpu.memory_space<hbm>>) dst(%arg7 : memref<128xi32, #tpu.memory_space<vmem>>)
    %dma_wait3A_160 = arith.constant 0 : i32
    %dma_wait3A_161 = tpu.memref_slice %arg3[%dma_wait3A_160] : memref<331776xi32, #tpu.memory_space<hbm>> -> memref<128xi32, #tpu.memory_space<hbm>>
    %dma_wait3A_162 = arith.constant 0 : i32
    %dma_wait3A_163 = tpu.memref_slice %arg3[%dma_wait3A_162] : memref<331776xi32, #tpu.memory_space<hbm>> -> memref<128xi32, #tpu.memory_space<hbm>>
    tpu.wait_dma2 semaphore(%arg12 : memref<!tpu.dma_semaphore, #tpu.memory_space<semaphore_mem>>) src(%dma_wait3A_163 : memref<128xi32, #tpu.memory_space<hbm>>) dst(%arg9 : memref<128xi32, #tpu.memory_space<vmem>>)
    %dma_start3A_164 = arith.constant 1 : i32
    %dma_start3A_165 = arith.constant 0 : i32
    %dma_start3A_166 = arith.constant 0 : i32
    %dma_start3A_167 = tpu.memref_slice %arg10[%dma_start3A_164, %dma_start3A_165, %dma_start3A_166] : memref<2x128x128xf32, #tpu.memory_space<vmem>> -> memref<1x128x128xf32, #tpu.memory_space<vmem>>
    %dma_start3A_168 = tpu.memref_squeeze %dma_start3A_167 : memref<1x128x128xf32, #tpu.memory_space<vmem>> -> memref<128x128xf32, #tpu.memory_space<vmem>>
    %dma_start3A_169 = arith.constant 0 : i32
    %dma_start3A_170 = arith.constant 0 : i32
    %dma_start3A_171 = tpu.memref_slice %arg4[%dma_start3A_169, %dma_start3A_170] : memref<10000x128xf32, #tpu.memory_space<hbm>> -> memref<10000x128xf32, #tpu.memory_space<hbm>>
    tpu.enqueue_indirect_dma source(%dma_start3A_171 : memref<10000x128xf32, #tpu.memory_space<hbm>>) target(%dma_start3A_168 : memref<128x128xf32, #tpu.memory_space<vmem>>) offsets(%arg7 : memref<128xi32, #tpu.memory_space<vmem>>) semaphore(%arg14 : memref<!tpu.dma_semaphore, #tpu.memory_space<semaphore_mem>>)
    %dma_wait3A_172 = arith.constant 1 : i32
    %dma_wait3A_173 = arith.constant 0 : i32
    %dma_wait3A_174 = arith.constant 0 : i32
    %dma_wait3A_175 = tpu.memref_slice %arg10[%dma_wait3A_172, %dma_wait3A_173, %dma_wait3A_174] : memref<2x128x128xf32, #tpu.memory_space<vmem>> -> memref<1x128x128xf32, #tpu.memory_space<vmem>>
    %dma_wait3A_176 = tpu.memref_squeeze %dma_wait3A_175 : memref<1x128x128xf32, #tpu.memory_space<vmem>> -> memref<128x128xf32, #tpu.memory_space<vmem>>
    %dma_wait3A_177 = arith.constant 0 : i32
    %dma_wait3A_178 = arith.constant 0 : i32
    %dma_wait3A_179 = tpu.memref_slice %arg4[%dma_wait3A_177, %dma_wait3A_178] : memref<10000x128xf32, #tpu.memory_space<hbm>> -> memref<10000x128xf32, #tpu.memory_space<hbm>>
    tpu.wait_indirect_dma semaphore(%arg14 : memref<!tpu.dma_semaphore, #tpu.memory_space<semaphore_mem>>) src(%dma_wait3A_179 : memref<10000x128xf32, #tpu.memory_space<hbm>>) dst(%dma_wait3A_176 : memref<128x128xf32, #tpu.memory_space<vmem>>)
    %dma_start3A_180 = arith.constant 1 : i32
    %dma_start3A_181 = arith.constant 0 : i32
    %dma_start3A_182 = arith.constant 0 : i32
    %dma_start3A_183 = tpu.memref_slice %arg10[%dma_start3A_180, %dma_start3A_181, %dma_start3A_182] : memref<2x128x128xf32, #tpu.memory_space<vmem>> -> memref<1x128x128xf32, #tpu.memory_space<vmem>>
    %dma_start3A_184 = tpu.memref_squeeze %dma_start3A_183 : memref<1x128x128xf32, #tpu.memory_space<vmem>> -> memref<128x128xf32, #tpu.memory_space<vmem>>
    %dma_start3A_185 = arith.constant 0 : i32
    %dma_start3A_186 = arith.constant 0 : i32
    %dma_start3A_187 = tpu.memref_slice %arg5[%dma_start3A_185, %dma_start3A_186] : memref<352896x128xf32, #tpu.memory_space<hbm>> -> memref<352896x128xf32, #tpu.memory_space<hbm>>
    tpu.enqueue_indirect_dma source(%dma_start3A_184 : memref<128x128xf32, #tpu.memory_space<vmem>>) target(%dma_start3A_187 : memref<352896x128xf32, #tpu.memory_space<hbm>>) offsets(%arg9 : memref<128xi32, #tpu.memory_space<vmem>>) semaphore(%arg16 : memref<!tpu.dma_semaphore, #tpu.memory_space<semaphore_mem>>)
    %dma_wait3A_188 = arith.constant 1 : i32
    %dma_wait3A_189 = arith.constant 0 : i32
    %dma_wait3A_190 = arith.constant 0 : i32
    %dma_wait3A_191 = tpu.memref_slice %arg10[%dma_wait3A_188, %dma_wait3A_189, %dma_wait3A_190] : memref<2x128x128xf32, #tpu.memory_space<vmem>> -> memref<1x128x128xf32, #tpu.memory_space<vmem>>
    %dma_wait3A_192 = tpu.memref_squeeze %dma_wait3A_191 : memref<1x128x128xf32, #tpu.memory_space<vmem>> -> memref<128x128xf32, #tpu.memory_space<vmem>>
    %dma_wait3A_193 = arith.constant 0 : i32
    %dma_wait3A_194 = arith.constant 0 : i32
    %dma_wait3A_195 = tpu.memref_slice %arg5[%dma_wait3A_193, %dma_wait3A_194] : memref<352896x128xf32, #tpu.memory_space<hbm>> -> memref<352896x128xf32, #tpu.memory_space<hbm>>
    tpu.wait_indirect_dma semaphore(%arg16 : memref<!tpu.dma_semaphore, #tpu.memory_space<semaphore_mem>>) src(%dma_wait3A_192 : memref<128x128xf32, #tpu.memory_space<vmem>>) dst(%dma_wait3A_195 : memref<352896x128xf32, #tpu.memory_space<hbm>>)
    return
  }
}

#map = affine_map<(d0, d1) -> (0)>
#map1 = affine_map<(d0, d1) -> (0, 0)>
module attributes {stable_mosaic.version = 14 : i64} {
  func.func @scatter_k(%arg0: i32, %arg1: i32, %arg2: memref<331776xi32, #tpu.memory_space<hbm>>, %arg3: memref<331776xi32, #tpu.memory_space<hbm>>, %arg4: memref<352768x128xf32, #tpu.memory_space<hbm>>, %arg5: memref<10112x128xf32, #tpu.memory_space<hbm>>, %arg6: memref<20224x128xf32, #tpu.memory_space<hbm>>, %arg7: memref<128xi32, #tpu.memory_space<vmem>>, %arg8: memref<128xi32, #tpu.memory_space<vmem>>, %arg9: memref<128xi32, #tpu.memory_space<vmem>>, %arg10: memref<128xi32, #tpu.memory_space<vmem>>, %arg11: memref<2x128x128xf32, #tpu.memory_space<vmem>>, %arg12: memref<10112x128xf32, #tpu.memory_space<vmem_shared>>, %arg13: memref<!tpu.dma_semaphore, #tpu.memory_space<semaphore_mem>>, %arg14: memref<!tpu.dma_semaphore, #tpu.memory_space<semaphore_mem>>, %arg15: memref<!tpu.dma_semaphore, #tpu.memory_space<semaphore_mem>>, %arg16: memref<!tpu.dma_semaphore, #tpu.memory_space<semaphore_mem>>, %arg17: memref<!tpu.dma_semaphore, #tpu.memory_space<semaphore_mem>>, %arg18: memref<!tpu.dma_semaphore, #tpu.memory_space<semaphore_mem>>) attributes {dimension_semantics = [#tpu.dimension_semantics<core_parallel>, #tpu.dimension_semantics<subcore_parallel>], iteration_bounds = array<i64: 2, 16>, scalar_prefetch = 0 : i64, scratch_operands = 12 : i64, tpu.core_type = #tpu.core_type<sc_vector_subcore>, window_params = [{transform_indices = #map}, {transform_indices = #map}, {transform_indices = #map1}, {transform_indices = #map1}, {transform_indices = #map1}]} {
    %mul3A = arith.constant 2 : i32
    %mul3A_0 = arith.muli %arg1, %mul3A : i32
    %add3A = arith.addi %mul3A_0, %arg0 : i32
    %mul3A_1 = arith.constant 632 : i32
    %mul3A_2 = arith.muli %arg1, %mul3A_1 : i32
    %mul3A_3 = arith.constant 632 : i32
    %mul3A_4 = arith.muli %arg1, %mul3A_3 : i32
    "tpu.region"() ({
      %run_scoped3A = tpu.sem_alloc : memref<!tpu.dma_semaphore, #tpu.memory_space<semaphore_mem>>
      %dma_start3A_208 = arith.constant 0 : i32
      %dma_start3A_209 = tpu.memref_slice %arg12[%mul3A_4, %dma_start3A_208] : memref<10112x128xf32, #tpu.memory_space<vmem_shared>> -> memref<632x128xf32, #tpu.memory_space<vmem_shared>>
      %dma_start3A_210 = arith.constant 0 : i32
      %dma_start3A_211 = tpu.memref_slice %arg5[%mul3A_2, %dma_start3A_210] : memref<10112x128xf32, #tpu.memory_space<hbm>> -> memref<632x128xf32, #tpu.memory_space<hbm>>
      tpu.enqueue_dma source(%dma_start3A_211 : memref<632x128xf32, #tpu.memory_space<hbm>>) target(%dma_start3A_209 : memref<632x128xf32, #tpu.memory_space<vmem_shared>>) target_semaphore(%run_scoped3A : memref<!tpu.dma_semaphore, #tpu.memory_space<semaphore_mem>>)
      %dma_wait3A_212 = arith.constant 0 : i32
      %dma_wait3A_213 = tpu.memref_slice %arg12[%mul3A_4, %dma_wait3A_212] : memref<10112x128xf32, #tpu.memory_space<vmem_shared>> -> memref<632x128xf32, #tpu.memory_space<vmem_shared>>
      %dma_wait3A_214 = arith.constant 0 : i32
      %dma_wait3A_215 = tpu.memref_slice %arg5[%mul3A_2, %dma_wait3A_214] : memref<10112x128xf32, #tpu.memory_space<hbm>> -> memref<632x128xf32, #tpu.memory_space<hbm>>
      tpu.wait_dma2 semaphore(%run_scoped3A : memref<!tpu.dma_semaphore, #tpu.memory_space<semaphore_mem>>) src(%dma_wait3A_215 : memref<632x128xf32, #tpu.memory_space<hbm>>) dst(%dma_wait3A_213 : memref<632x128xf32, #tpu.memory_space<vmem_shared>>)
      tpu.yield
    }) : () -> ()
    %barrier3A = arith.constant 0 : index
    tpu.barrier barrier_id(%barrier3A)
    %add3A_5 = arith.constant 0 : i32
    %add3A_6 = arith.addi %add3A, %add3A_5 : i32
    %mul3A_7 = arith.constant 128 : i32
    %mul3A_8 = arith.muli %add3A_6, %mul3A_7 : i32
    %dma_start3A = tpu.memref_slice %arg2[%mul3A_8] : memref<331776xi32, #tpu.memory_space<hbm>> -> memref<128xi32, #tpu.memory_space<hbm>>
    %dma_start3A_9 = tpu.memref_slice %arg2[%mul3A_8] : memref<331776xi32, #tpu.memory_space<hbm>> -> memref<128xi32, #tpu.memory_space<hbm>>
    tpu.enqueue_dma source(%dma_start3A_9 : memref<128xi32, #tpu.memory_space<hbm>>) target(%arg7 : memref<128xi32, #tpu.memory_space<vmem>>) target_semaphore(%arg13 : memref<!tpu.dma_semaphore, #tpu.memory_space<semaphore_mem>>)
    %dma_start3A_10 = tpu.memref_slice %arg3[%mul3A_8] : memref<331776xi32, #tpu.memory_space<hbm>> -> memref<128xi32, #tpu.memory_space<hbm>>
    %dma_start3A_11 = tpu.memref_slice %arg3[%mul3A_8] : memref<331776xi32, #tpu.memory_space<hbm>> -> memref<128xi32, #tpu.memory_space<hbm>>
    tpu.enqueue_dma source(%dma_start3A_11 : memref<128xi32, #tpu.memory_space<hbm>>) target(%arg9 : memref<128xi32, #tpu.memory_space<vmem>>) target_semaphore(%arg13 : memref<!tpu.dma_semaphore, #tpu.memory_space<semaphore_mem>>)
    %add3A_12 = arith.constant 32 : i32
    %add3A_13 = arith.addi %add3A, %add3A_12 : i32
    %mul3A_14 = arith.constant 128 : i32
    %mul3A_15 = arith.muli %add3A_13, %mul3A_14 : i32
    %dma_start3A_16 = tpu.memref_slice %arg2[%mul3A_15] : memref<331776xi32, #tpu.memory_space<hbm>> -> memref<128xi32, #tpu.memory_space<hbm>>
    %dma_start3A_17 = tpu.memref_slice %arg2[%mul3A_15] : memref<331776xi32, #tpu.memory_space<hbm>> -> memref<128xi32, #tpu.memory_space<hbm>>
    tpu.enqueue_dma source(%dma_start3A_17 : memref<128xi32, #tpu.memory_space<hbm>>) target(%arg8 : memref<128xi32, #tpu.memory_space<vmem>>) target_semaphore(%arg14 : memref<!tpu.dma_semaphore, #tpu.memory_space<semaphore_mem>>)
    %dma_start3A_18 = tpu.memref_slice %arg3[%mul3A_15] : memref<331776xi32, #tpu.memory_space<hbm>> -> memref<128xi32, #tpu.memory_space<hbm>>
    %dma_start3A_19 = tpu.memref_slice %arg3[%mul3A_15] : memref<331776xi32, #tpu.memory_space<hbm>> -> memref<128xi32, #tpu.memory_space<hbm>>
    tpu.enqueue_dma source(%dma_start3A_19 : memref<128xi32, #tpu.memory_space<hbm>>) target(%arg10 : memref<128xi32, #tpu.memory_space<vmem>>) target_semaphore(%arg14 : memref<!tpu.dma_semaphore, #tpu.memory_space<semaphore_mem>>)
    %dma_wait3A = arith.constant 0 : i32
    %dma_wait3A_20 = tpu.memref_slice %arg2[%dma_wait3A] : memref<331776xi32, #tpu.memory_space<hbm>> -> memref<128xi32, #tpu.memory_space<hbm>>
    %dma_wait3A_21 = arith.constant 0 : i32
    %dma_wait3A_22 = tpu.memref_slice %arg2[%dma_wait3A_21] : memref<331776xi32, #tpu.memory_space<hbm>> -> memref<128xi32, #tpu.memory_space<hbm>>
    tpu.wait_dma2 semaphore(%arg13 : memref<!tpu.dma_semaphore, #tpu.memory_space<semaphore_mem>>) src(%dma_wait3A_22 : memref<128xi32, #tpu.memory_space<hbm>>) dst(%arg7 : memref<128xi32, #tpu.memory_space<vmem>>)
    %dma_wait3A_23 = arith.constant 0 : i32
    %dma_wait3A_24 = tpu.memref_slice %arg3[%dma_wait3A_23] : memref<331776xi32, #tpu.memory_space<hbm>> -> memref<128xi32, #tpu.memory_space<hbm>>
    %dma_wait3A_25 = arith.constant 0 : i32
    %dma_wait3A_26 = tpu.memref_slice %arg3[%dma_wait3A_25] : memref<331776xi32, #tpu.memory_space<hbm>> -> memref<128xi32, #tpu.memory_space<hbm>>
    tpu.wait_dma2 semaphore(%arg13 : memref<!tpu.dma_semaphore, #tpu.memory_space<semaphore_mem>>) src(%dma_wait3A_26 : memref<128xi32, #tpu.memory_space<hbm>>) dst(%arg9 : memref<128xi32, #tpu.memory_space<vmem>>)
    %dma_start3A_27 = arith.constant 0 : i32
    %dma_start3A_28 = arith.constant 0 : i32
    %dma_start3A_29 = arith.constant 0 : i32
    %dma_start3A_30 = tpu.memref_slice %arg11[%dma_start3A_27, %dma_start3A_28, %dma_start3A_29] : memref<2x128x128xf32, #tpu.memory_space<vmem>> -> memref<1x128x128xf32, #tpu.memory_space<vmem>>
    %dma_start3A_31 = tpu.memref_squeeze %dma_start3A_30 : memref<1x128x128xf32, #tpu.memory_space<vmem>> -> memref<128x128xf32, #tpu.memory_space<vmem>>
    %dma_start3A_32 = arith.constant 0 : i32
    %dma_start3A_33 = arith.constant 0 : i32
    %dma_start3A_34 = tpu.memref_slice %arg4[%dma_start3A_32, %dma_start3A_33] : memref<352768x128xf32, #tpu.memory_space<hbm>> -> memref<352768x128xf32, #tpu.memory_space<hbm>>
    tpu.enqueue_indirect_dma source(%dma_start3A_34 : memref<352768x128xf32, #tpu.memory_space<hbm>>) target(%dma_start3A_31 : memref<128x128xf32, #tpu.memory_space<vmem>>) offsets(%arg7 : memref<128xi32, #tpu.memory_space<vmem>>) semaphore(%arg15 : memref<!tpu.dma_semaphore, #tpu.memory_space<semaphore_mem>>)
    %dma_wait3A_35 = arith.constant 0 : i32
    %dma_wait3A_36 = arith.constant 0 : i32
    %dma_wait3A_37 = arith.constant 0 : i32
    %dma_wait3A_38 = tpu.memref_slice %arg11[%dma_wait3A_35, %dma_wait3A_36, %dma_wait3A_37] : memref<2x128x128xf32, #tpu.memory_space<vmem>> -> memref<1x128x128xf32, #tpu.memory_space<vmem>>
    %dma_wait3A_39 = tpu.memref_squeeze %dma_wait3A_38 : memref<1x128x128xf32, #tpu.memory_space<vmem>> -> memref<128x128xf32, #tpu.memory_space<vmem>>
    %dma_wait3A_40 = arith.constant 0 : i32
    %dma_wait3A_41 = arith.constant 0 : i32
    %dma_wait3A_42 = tpu.memref_slice %arg4[%dma_wait3A_40, %dma_wait3A_41] : memref<352768x128xf32, #tpu.memory_space<hbm>> -> memref<352768x128xf32, #tpu.memory_space<hbm>>
    tpu.wait_indirect_dma semaphore(%arg15 : memref<!tpu.dma_semaphore, #tpu.memory_space<semaphore_mem>>) src(%dma_wait3A_42 : memref<352768x128xf32, #tpu.memory_space<hbm>>) dst(%dma_wait3A_39 : memref<128x128xf32, #tpu.memory_space<vmem>>)
    %dma_start3A_43 = arith.constant 0 : i32
    %dma_start3A_44 = arith.constant 0 : i32
    %dma_start3A_45 = arith.constant 0 : i32
    %dma_start3A_46 = tpu.memref_slice %arg11[%dma_start3A_43, %dma_start3A_44, %dma_start3A_45] : memref<2x128x128xf32, #tpu.memory_space<vmem>> -> memref<1x128x128xf32, #tpu.memory_space<vmem>>
    %dma_start3A_47 = tpu.memref_squeeze %dma_start3A_46 : memref<1x128x128xf32, #tpu.memory_space<vmem>> -> memref<128x128xf32, #tpu.memory_space<vmem>>
    %dma_start3A_48 = arith.constant 0 : i32
    %dma_start3A_49 = arith.constant 0 : i32
    %dma_start3A_50 = tpu.memref_slice %arg12[%dma_start3A_48, %dma_start3A_49] : memref<10112x128xf32, #tpu.memory_space<vmem_shared>> -> memref<10112x128xf32, #tpu.memory_space<vmem_shared>>
    tpu.enqueue_indirect_dma source(%dma_start3A_47 : memref<128x128xf32, #tpu.memory_space<vmem>>) target(%dma_start3A_50 : memref<10112x128xf32, #tpu.memory_space<vmem_shared>>) offsets(%arg9 : memref<128xi32, #tpu.memory_space<vmem>>) semaphore(%arg17 : memref<!tpu.dma_semaphore, #tpu.memory_space<semaphore_mem>>) {add = true}
    %dma_wait3A_51 = arith.constant 0 : i32
    %dma_wait3A_52 = arith.constant 0 : i32
    %dma_wait3A_53 = arith.constant 0 : i32
    %dma_wait3A_54 = tpu.memref_slice %arg11[%dma_wait3A_51, %dma_wait3A_52, %dma_wait3A_53] : memref<2x128x128xf32, #tpu.memory_space<vmem>> -> memref<1x128x128xf32, #tpu.memory_space<vmem>>
    %dma_wait3A_55 = tpu.memref_squeeze %dma_wait3A_54 : memref<1x128x128xf32, #tpu.memory_space<vmem>> -> memref<128x128xf32, #tpu.memory_space<vmem>>
    %dma_wait3A_56 = arith.constant 0 : i32
    %dma_wait3A_57 = arith.constant 0 : i32
    %dma_wait3A_58 = tpu.memref_slice %arg12[%dma_wait3A_56, %dma_wait3A_57] : memref<10112x128xf32, #tpu.memory_space<vmem_shared>> -> memref<10112x128xf32, #tpu.memory_space<vmem_shared>>
    tpu.wait_indirect_dma semaphore(%arg17 : memref<!tpu.dma_semaphore, #tpu.memory_space<semaphore_mem>>) src(%dma_wait3A_55 : memref<128x128xf32, #tpu.memory_space<vmem>>) dst(%dma_wait3A_58 : memref<10112x128xf32, #tpu.memory_space<vmem_shared>>)
    %add3A_59 = arith.constant 64 : i32
    %add3A_60 = arith.addi %add3A, %add3A_59 : i32
    %mul3A_61 = arith.constant 128 : i32
    %mul3A_62 = arith.muli %add3A_60, %mul3A_61 : i32
    %dma_start3A_63 = tpu.memref_slice %arg2[%mul3A_62] : memref<331776xi32, #tpu.memory_space<hbm>> -> memref<128xi32, #tpu.memory_space<hbm>>
    %dma_start3A_64 = tpu.memref_slice %arg2[%mul3A_62] : memref<331776xi32, #tpu.memory_space<hbm>> -> memref<128xi32, #tpu.memory_space<hbm>>
    tpu.enqueue_dma source(%dma_start3A_64 : memref<128xi32, #tpu.memory_space<hbm>>) target(%arg7 : memref<128xi32, #tpu.memory_space<vmem>>) target_semaphore(%arg13 : memref<!tpu.dma_semaphore, #tpu.memory_space<semaphore_mem>>)
    %dma_start3A_65 = tpu.memref_slice %arg3[%mul3A_62] : memref<331776xi32, #tpu.memory_space<hbm>> -> memref<128xi32, #tpu.memory_space<hbm>>
    %dma_start3A_66 = tpu.memref_slice %arg3[%mul3A_62] : memref<331776xi32, #tpu.memory_space<hbm>> -> memref<128xi32, #tpu.memory_space<hbm>>
    tpu.enqueue_dma source(%dma_start3A_66 : memref<128xi32, #tpu.memory_space<hbm>>) target(%arg9 : memref<128xi32, #tpu.memory_space<vmem>>) target_semaphore(%arg13 : memref<!tpu.dma_semaphore, #tpu.memory_space<semaphore_mem>>)
    %dma_wait3A_67 = arith.constant 0 : i32
    %dma_wait3A_68 = tpu.memref_slice %arg2[%dma_wait3A_67] : memref<331776xi32, #tpu.memory_space<hbm>> -> memref<128xi32, #tpu.memory_space<hbm>>
    %dma_wait3A_69 = arith.constant 0 : i32
    %dma_wait3A_70 = tpu.memref_slice %arg2[%dma_wait3A_69] : memref<331776xi32, #tpu.memory_space<hbm>> -> memref<128xi32, #tpu.memory_space<hbm>>
    tpu.wait_dma2 semaphore(%arg14 : memref<!tpu.dma_semaphore, #tpu.memory_space<semaphore_mem>>) src(%dma_wait3A_70 : memref<128xi32, #tpu.memory_space<hbm>>) dst(%arg8 : memref<128xi32, #tpu.memory_space<vmem>>)
    %dma_wait3A_71 = arith.constant 0 : i32
    %dma_wait3A_72 = tpu.memref_slice %arg3[%dma_wait3A_71] : memref<331776xi32, #tpu.memory_space<hbm>> -> memref<128xi32, #tpu.memory_space<hbm>>
    %dma_wait3A_73 = arith.constant 0 : i32
    %dma_wait3A_74 = tpu.memref_slice %arg3[%dma_wait3A_73] : memref<331776xi32, #tpu.memory_space<hbm>> -> memref<128xi32, #tpu.memory_space<hbm>>
    tpu.wait_dma2 semaphore(%arg14 : memref<!tpu.dma_semaphore, #tpu.memory_space<semaphore_mem>>) src(%dma_wait3A_74 : memref<128xi32, #tpu.memory_space<hbm>>) dst(%arg10 : memref<128xi32, #tpu.memory_space<vmem>>)
    %dma_start3A_75 = arith.constant 1 : i32
    %dma_start3A_76 = arith.constant 0 : i32
    %dma_start3A_77 = arith.constant 0 : i32
    %dma_start3A_78 = tpu.memref_slice %arg11[%dma_start3A_75, %dma_start3A_76, %dma_start3A_77] : memref<2x128x128xf32, #tpu.memory_space<vmem>> -> memref<1x128x128xf32, #tpu.memory_space<vmem>>
    %dma_start3A_79 = tpu.memref_squeeze %dma_start3A_78 : memref<1x128x128xf32, #tpu.memory_space<vmem>> -> memref<128x128xf32, #tpu.memory_space<vmem>>
    %dma_start3A_80 = arith.constant 0 : i32
    %dma_start3A_81 = arith.constant 0 : i32
    %dma_start3A_82 = tpu.memref_slice %arg4[%dma_start3A_80, %dma_start3A_81] : memref<352768x128xf32, #tpu.memory_space<hbm>> -> memref<352768x128xf32, #tpu.memory_space<hbm>>
    tpu.enqueue_indirect_dma source(%dma_start3A_82 : memref<352768x128xf32, #tpu.memory_space<hbm>>) target(%dma_start3A_79 : memref<128x128xf32, #tpu.memory_space<vmem>>) offsets(%arg8 : memref<128xi32, #tpu.memory_space<vmem>>) semaphore(%arg16 : memref<!tpu.dma_semaphore, #tpu.memory_space<semaphore_mem>>)
    %dma_wait3A_83 = arith.constant 1 : i32
    %dma_wait3A_84 = arith.constant 0 : i32
    %dma_wait3A_85 = arith.constant 0 : i32
    %dma_wait3A_86 = tpu.memref_slice %arg11[%dma_wait3A_83, %dma_wait3A_84, %dma_wait3A_85] : memref<2x128x128xf32, #tpu.memory_space<vmem>> -> memref<1x128x128xf32, #tpu.memory_space<vmem>>
    %dma_wait3A_87 = tpu.memref_squeeze %dma_wait3A_86 : memref<1x128x128xf32, #tpu.memory_space<vmem>> -> memref<128x128xf32, #tpu.memory_space<vmem>>
    %dma_wait3A_88 = arith.constant 0 : i32
    %dma_wait3A_89 = arith.constant 0 : i32
    %dma_wait3A_90 = tpu.memref_slice %arg4[%dma_wait3A_88, %dma_wait3A_89] : memref<352768x128xf32, #tpu.memory_space<hbm>> -> memref<352768x128xf32, #tpu.memory_space<hbm>>
    tpu.wait_indirect_dma semaphore(%arg16 : memref<!tpu.dma_semaphore, #tpu.memory_space<semaphore_mem>>) src(%dma_wait3A_90 : memref<352768x128xf32, #tpu.memory_space<hbm>>) dst(%dma_wait3A_87 : memref<128x128xf32, #tpu.memory_space<vmem>>)
    %dma_start3A_91 = arith.constant 1 : i32
    %dma_start3A_92 = arith.constant 0 : i32
    %dma_start3A_93 = arith.constant 0 : i32
    %dma_start3A_94 = tpu.memref_slice %arg11[%dma_start3A_91, %dma_start3A_92, %dma_start3A_93] : memref<2x128x128xf32, #tpu.memory_space<vmem>> -> memref<1x128x128xf32, #tpu.memory_space<vmem>>
    %dma_start3A_95 = tpu.memref_squeeze %dma_start3A_94 : memref<1x128x128xf32, #tpu.memory_space<vmem>> -> memref<128x128xf32, #tpu.memory_space<vmem>>
    %dma_start3A_96 = arith.constant 0 : i32
    %dma_start3A_97 = arith.constant 0 : i32
    %dma_start3A_98 = tpu.memref_slice %arg12[%dma_start3A_96, %dma_start3A_97] : memref<10112x128xf32, #tpu.memory_space<vmem_shared>> -> memref<10112x128xf32, #tpu.memory_space<vmem_shared>>
    tpu.enqueue_indirect_dma source(%dma_start3A_95 : memref<128x128xf32, #tpu.memory_space<vmem>>) target(%dma_start3A_98 : memref<10112x128xf32, #tpu.memory_space<vmem_shared>>) offsets(%arg10 : memref<128xi32, #tpu.memory_space<vmem>>) semaphore(%arg18 : memref<!tpu.dma_semaphore, #tpu.memory_space<semaphore_mem>>) {add = true}
    %scan3A = arith.constant 0 : i32
    %scan3A_99 = arith.constant 1 : i32
    %scan3A_100 = arith.constant 38 : i32
    %scan3A_101 = arith.addi %scan3A_99, %scan3A_100 : i32
    %scan3A_102 = arith.constant 1 : i32
    scf.for %scan3A_208 = %scan3A_99 to %scan3A_101 step %scan3A_102  : i32 {
      %mul3A_209 = arith.constant 2 : i32
      %mul3A_210 = arith.muli %mul3A_209, %scan3A_208 : i32
      %dma_wait3A_211 = arith.constant 1 : i32
      %dma_wait3A_212 = arith.constant 0 : i32
      %dma_wait3A_213 = arith.constant 0 : i32
      %dma_wait3A_214 = tpu.memref_slice %arg11[%dma_wait3A_211, %dma_wait3A_212, %dma_wait3A_213] : memref<2x128x128xf32, #tpu.memory_space<vmem>> -> memref<1x128x128xf32, #tpu.memory_space<vmem>>
      %dma_wait3A_215 = tpu.memref_squeeze %dma_wait3A_214 : memref<1x128x128xf32, #tpu.memory_space<vmem>> -> memref<128x128xf32, #tpu.memory_space<vmem>>
      %dma_wait3A_216 = arith.constant 0 : i32
      %dma_wait3A_217 = arith.constant 0 : i32
      %dma_wait3A_218 = tpu.memref_slice %arg12[%dma_wait3A_216, %dma_wait3A_217] : memref<10112x128xf32, #tpu.memory_space<vmem_shared>> -> memref<10112x128xf32, #tpu.memory_space<vmem_shared>>
      tpu.wait_indirect_dma semaphore(%arg18 : memref<!tpu.dma_semaphore, #tpu.memory_space<semaphore_mem>>) src(%dma_wait3A_215 : memref<128x128xf32, #tpu.memory_space<vmem>>) dst(%dma_wait3A_218 : memref<10112x128xf32, #tpu.memory_space<vmem_shared>>)
      %add3A_219 = arith.constant 1 : i32
      %add3A_220 = arith.addi %mul3A_210, %add3A_219 : i32
      %mul3A_221 = arith.constant 32 : i32
      %mul3A_222 = arith.muli %add3A_220, %mul3A_221 : i32
      %add3A_223 = arith.addi %add3A, %mul3A_222 : i32
      %mul3A_224 = arith.constant 128 : i32
      %mul3A_225 = arith.muli %add3A_223, %mul3A_224 : i32
      %dma_start3A_226 = tpu.memref_slice %arg2[%mul3A_225] : memref<331776xi32, #tpu.memory_space<hbm>> -> memref<128xi32, #tpu.memory_space<hbm>>
      %dma_start3A_227 = tpu.memref_slice %arg2[%mul3A_225] : memref<331776xi32, #tpu.memory_space<hbm>> -> memref<128xi32, #tpu.memory_space<hbm>>
      tpu.enqueue_dma source(%dma_start3A_227 : memref<128xi32, #tpu.memory_space<hbm>>) target(%arg8 : memref<128xi32, #tpu.memory_space<vmem>>) target_semaphore(%arg14 : memref<!tpu.dma_semaphore, #tpu.memory_space<semaphore_mem>>)
      %dma_start3A_228 = tpu.memref_slice %arg3[%mul3A_225] : memref<331776xi32, #tpu.memory_space<hbm>> -> memref<128xi32, #tpu.memory_space<hbm>>
      %dma_start3A_229 = tpu.memref_slice %arg3[%mul3A_225] : memref<331776xi32, #tpu.memory_space<hbm>> -> memref<128xi32, #tpu.memory_space<hbm>>
      tpu.enqueue_dma source(%dma_start3A_229 : memref<128xi32, #tpu.memory_space<hbm>>) target(%arg10 : memref<128xi32, #tpu.memory_space<vmem>>) target_semaphore(%arg14 : memref<!tpu.dma_semaphore, #tpu.memory_space<semaphore_mem>>)
      %dma_wait3A_230 = arith.constant 0 : i32
      %dma_wait3A_231 = tpu.memref_slice %arg2[%dma_wait3A_230] : memref<331776xi32, #tpu.memory_space<hbm>> -> memref<128xi32, #tpu.memory_space<hbm>>
      %dma_wait3A_232 = arith.constant 0 : i32
      %dma_wait3A_233 = tpu.memref_slice %arg2[%dma_wait3A_232] : memref<331776xi32, #tpu.memory_space<hbm>> -> memref<128xi32, #tpu.memory_space<hbm>>
      tpu.wait_dma2 semaphore(%arg13 : memref<!tpu.dma_semaphore, #tpu.memory_space<semaphore_mem>>) src(%dma_wait3A_233 : memref<128xi32, #tpu.memory_space<hbm>>) dst(%arg7 : memref<128xi32, #tpu.memory_space<vmem>>)
      %dma_wait3A_234 = arith.constant 0 : i32
      %dma_wait3A_235 = tpu.memref_slice %arg3[%dma_wait3A_234] : memref<331776xi32, #tpu.memory_space<hbm>> -> memref<128xi32, #tpu.memory_space<hbm>>
      %dma_wait3A_236 = arith.constant 0 : i32
      %dma_wait3A_237 = tpu.memref_slice %arg3[%dma_wait3A_236] : memref<331776xi32, #tpu.memory_space<hbm>> -> memref<128xi32, #tpu.memory_space<hbm>>
      tpu.wait_dma2 semaphore(%arg13 : memref<!tpu.dma_semaphore, #tpu.memory_space<semaphore_mem>>) src(%dma_wait3A_237 : memref<128xi32, #tpu.memory_space<hbm>>) dst(%arg9 : memref<128xi32, #tpu.memory_space<vmem>>)
      %dma_start3A_238 = arith.constant 0 : i32
      %dma_start3A_239 = arith.constant 0 : i32
      %dma_start3A_240 = arith.constant 0 : i32
      %dma_start3A_241 = tpu.memref_slice %arg11[%dma_start3A_238, %dma_start3A_239, %dma_start3A_240] : memref<2x128x128xf32, #tpu.memory_space<vmem>> -> memref<1x128x128xf32, #tpu.memory_space<vmem>>
      %dma_start3A_242 = tpu.memref_squeeze %dma_start3A_241 : memref<1x128x128xf32, #tpu.memory_space<vmem>> -> memref<128x128xf32, #tpu.memory_space<vmem>>
      %dma_start3A_243 = arith.constant 0 : i32
      %dma_start3A_244 = arith.constant 0 : i32
      %dma_start3A_245 = tpu.memref_slice %arg4[%dma_start3A_243, %dma_start3A_244] : memref<352768x128xf32, #tpu.memory_space<hbm>> -> memref<352768x128xf32, #tpu.memory_space<hbm>>
      tpu.enqueue_indirect_dma source(%dma_start3A_245 : memref<352768x128xf32, #tpu.memory_space<hbm>>) target(%dma_start3A_242 : memref<128x128xf32, #tpu.memory_space<vmem>>) offsets(%arg7 : memref<128xi32, #tpu.memory_space<vmem>>) semaphore(%arg15 : memref<!tpu.dma_semaphore, #tpu.memory_space<semaphore_mem>>)
      %dma_wait3A_246 = arith.constant 0 : i32
      %dma_wait3A_247 = arith.constant 0 : i32
      %dma_wait3A_248 = arith.constant 0 : i32
      %dma_wait3A_249 = tpu.memref_slice %arg11[%dma_wait3A_246, %dma_wait3A_247, %dma_wait3A_248] : memref<2x128x128xf32, #tpu.memory_space<vmem>> -> memref<1x128x128xf32, #tpu.memory_space<vmem>>
      %dma_wait3A_250 = tpu.memref_squeeze %dma_wait3A_249 : memref<1x128x128xf32, #tpu.memory_space<vmem>> -> memref<128x128xf32, #tpu.memory_space<vmem>>
      %dma_wait3A_251 = arith.constant 0 : i32
      %dma_wait3A_252 = arith.constant 0 : i32
      %dma_wait3A_253 = tpu.memref_slice %arg4[%dma_wait3A_251, %dma_wait3A_252] : memref<352768x128xf32, #tpu.memory_space<hbm>> -> memref<352768x128xf32, #tpu.memory_space<hbm>>
      tpu.wait_indirect_dma semaphore(%arg15 : memref<!tpu.dma_semaphore, #tpu.memory_space<semaphore_mem>>) src(%dma_wait3A_253 : memref<352768x128xf32, #tpu.memory_space<hbm>>) dst(%dma_wait3A_250 : memref<128x128xf32, #tpu.memory_space<vmem>>)
      %dma_start3A_254 = arith.constant 0 : i32
      %dma_start3A_255 = arith.constant 0 : i32
      %dma_start3A_256 = arith.constant 0 : i32
      %dma_start3A_257 = tpu.memref_slice %arg11[%dma_start3A_254, %dma_start3A_255, %dma_start3A_256] : memref<2x128x128xf32, #tpu.memory_space<vmem>> -> memref<1x128x128xf32, #tpu.memory_space<vmem>>
      %dma_start3A_258 = tpu.memref_squeeze %dma_start3A_257 : memref<1x128x128xf32, #tpu.memory_space<vmem>> -> memref<128x128xf32, #tpu.memory_space<vmem>>
      %dma_start3A_259 = arith.constant 0 : i32
      %dma_start3A_260 = arith.constant 0 : i32
      %dma_start3A_261 = tpu.memref_slice %arg12[%dma_start3A_259, %dma_start3A_260] : memref<10112x128xf32, #tpu.memory_space<vmem_shared>> -> memref<10112x128xf32, #tpu.memory_space<vmem_shared>>
      tpu.enqueue_indirect_dma source(%dma_start3A_258 : memref<128x128xf32, #tpu.memory_space<vmem>>) target(%dma_start3A_261 : memref<10112x128xf32, #tpu.memory_space<vmem_shared>>) offsets(%arg9 : memref<128xi32, #tpu.memory_space<vmem>>) semaphore(%arg17 : memref<!tpu.dma_semaphore, #tpu.memory_space<semaphore_mem>>) {add = true}
      %mul3A_262 = arith.constant 2 : i32
      %mul3A_263 = arith.muli %mul3A_262, %scan3A_208 : i32
      %add3A_264 = arith.constant 1 : i32
      %add3A_265 = arith.addi %mul3A_263, %add3A_264 : i32
      %dma_wait3A_266 = arith.constant 0 : i32
      %dma_wait3A_267 = arith.constant 0 : i32
      %dma_wait3A_268 = arith.constant 0 : i32
      %dma_wait3A_269 = tpu.memref_slice %arg11[%dma_wait3A_266, %dma_wait3A_267, %dma_wait3A_268] : memref<2x128x128xf32, #tpu.memory_space<vmem>> -> memref<1x128x128xf32, #tpu.memory_space<vmem>>
      %dma_wait3A_270 = tpu.memref_squeeze %dma_wait3A_269 : memref<1x128x128xf32, #tpu.memory_space<vmem>> -> memref<128x128xf32, #tpu.memory_space<vmem>>
      %dma_wait3A_271 = arith.constant 0 : i32
      %dma_wait3A_272 = arith.constant 0 : i32
      %dma_wait3A_273 = tpu.memref_slice %arg12[%dma_wait3A_271, %dma_wait3A_272] : memref<10112x128xf32, #tpu.memory_space<vmem_shared>> -> memref<10112x128xf32, #tpu.memory_space<vmem_shared>>
      tpu.wait_indirect_dma semaphore(%arg17 : memref<!tpu.dma_semaphore, #tpu.memory_space<semaphore_mem>>) src(%dma_wait3A_270 : memref<128x128xf32, #tpu.memory_space<vmem>>) dst(%dma_wait3A_273 : memref<10112x128xf32, #tpu.memory_space<vmem_shared>>)
      %add3A_274 = arith.constant 1 : i32
      %add3A_275 = arith.addi %add3A_265, %add3A_274 : i32
      %mul3A_276 = arith.constant 32 : i32
      %mul3A_277 = arith.muli %add3A_275, %mul3A_276 : i32
      %add3A_278 = arith.addi %add3A, %mul3A_277 : i32
      %mul3A_279 = arith.constant 128 : i32
      %mul3A_280 = arith.muli %add3A_278, %mul3A_279 : i32
      %dma_start3A_281 = tpu.memref_slice %arg2[%mul3A_280] : memref<331776xi32, #tpu.memory_space<hbm>> -> memref<128xi32, #tpu.memory_space<hbm>>
      %dma_start3A_282 = tpu.memref_slice %arg2[%mul3A_280] : memref<331776xi32, #tpu.memory_space<hbm>> -> memref<128xi32, #tpu.memory_space<hbm>>
      tpu.enqueue_dma source(%dma_start3A_282 : memref<128xi32, #tpu.memory_space<hbm>>) target(%arg7 : memref<128xi32, #tpu.memory_space<vmem>>) target_semaphore(%arg13 : memref<!tpu.dma_semaphore, #tpu.memory_space<semaphore_mem>>)
      %dma_start3A_283 = tpu.memref_slice %arg3[%mul3A_280] : memref<331776xi32, #tpu.memory_space<hbm>> -> memref<128xi32, #tpu.memory_space<hbm>>
      %dma_start3A_284 = tpu.memref_slice %arg3[%mul3A_280] : memref<331776xi32, #tpu.memory_space<hbm>> -> memref<128xi32, #tpu.memory_space<hbm>>
      tpu.enqueue_dma source(%dma_start3A_284 : memref<128xi32, #tpu.memory_space<hbm>>) target(%arg9 : memref<128xi32, #tpu.memory_space<vmem>>) target_semaphore(%arg13 : memref<!tpu.dma_semaphore, #tpu.memory_space<semaphore_mem>>)
      %dma_wait3A_285 = arith.constant 0 : i32
      %dma_wait3A_286 = tpu.memref_slice %arg2[%dma_wait3A_285] : memref<331776xi32, #tpu.memory_space<hbm>> -> memref<128xi32, #tpu.memory_space<hbm>>
      %dma_wait3A_287 = arith.constant 0 : i32
      %dma_wait3A_288 = tpu.memref_slice %arg2[%dma_wait3A_287] : memref<331776xi32, #tpu.memory_space<hbm>> -> memref<128xi32, #tpu.memory_space<hbm>>
      tpu.wait_dma2 semaphore(%arg14 : memref<!tpu.dma_semaphore, #tpu.memory_space<semaphore_mem>>) src(%dma_wait3A_288 : memref<128xi32, #tpu.memory_space<hbm>>) dst(%arg8 : memref<128xi32, #tpu.memory_space<vmem>>)
      %dma_wait3A_289 = arith.constant 0 : i32
      %dma_wait3A_290 = tpu.memref_slice %arg3[%dma_wait3A_289] : memref<331776xi32, #tpu.memory_space<hbm>> -> memref<128xi32, #tpu.memory_space<hbm>>
      %dma_wait3A_291 = arith.constant 0 : i32
      %dma_wait3A_292 = tpu.memref_slice %arg3[%dma_wait3A_291] : memref<331776xi32, #tpu.memory_space<hbm>> -> memref<128xi32, #tpu.memory_space<hbm>>
      tpu.wait_dma2 semaphore(%arg14 : memref<!tpu.dma_semaphore, #tpu.memory_space<semaphore_mem>>) src(%dma_wait3A_292 : memref<128xi32, #tpu.memory_space<hbm>>) dst(%arg10 : memref<128xi32, #tpu.memory_space<vmem>>)
      %dma_start3A_293 = arith.constant 1 : i32
      %dma_start3A_294 = arith.constant 0 : i32
      %dma_start3A_295 = arith.constant 0 : i32
      %dma_start3A_296 = tpu.memref_slice %arg11[%dma_start3A_293, %dma_start3A_294, %dma_start3A_295] : memref<2x128x128xf32, #tpu.memory_space<vmem>> -> memref<1x128x128xf32, #tpu.memory_space<vmem>>
      %dma_start3A_297 = tpu.memref_squeeze %dma_start3A_296 : memref<1x128x128xf32, #tpu.memory_space<vmem>> -> memref<128x128xf32, #tpu.memory_space<vmem>>
      %dma_start3A_298 = arith.constant 0 : i32
      %dma_start3A_299 = arith.constant 0 : i32
      %dma_start3A_300 = tpu.memref_slice %arg4[%dma_start3A_298, %dma_start3A_299] : memref<352768x128xf32, #tpu.memory_space<hbm>> -> memref<352768x128xf32, #tpu.memory_space<hbm>>
      tpu.enqueue_indirect_dma source(%dma_start3A_300 : memref<352768x128xf32, #tpu.memory_space<hbm>>) target(%dma_start3A_297 : memref<128x128xf32, #tpu.memory_space<vmem>>) offsets(%arg8 : memref<128xi32, #tpu.memory_space<vmem>>) semaphore(%arg16 : memref<!tpu.dma_semaphore, #tpu.memory_space<semaphore_mem>>)
      %dma_wait3A_301 = arith.constant 1 : i32
      %dma_wait3A_302 = arith.constant 0 : i32
      %dma_wait3A_303 = arith.constant 0 : i32
      %dma_wait3A_304 = tpu.memref_slice %arg11[%dma_wait3A_301, %dma_wait3A_302, %dma_wait3A_303] : memref<2x128x128xf32, #tpu.memory_space<vmem>> -> memref<1x128x128xf32, #tpu.memory_space<vmem>>
      %dma_wait3A_305 = tpu.memref_squeeze %dma_wait3A_304 : memref<1x128x128xf32, #tpu.memory_space<vmem>> -> memref<128x128xf32, #tpu.memory_space<vmem>>
      %dma_wait3A_306 = arith.constant 0 : i32
      %dma_wait3A_307 = arith.constant 0 : i32
      %dma_wait3A_308 = tpu.memref_slice %arg4[%dma_wait3A_306, %dma_wait3A_307] : memref<352768x128xf32, #tpu.memory_space<hbm>> -> memref<352768x128xf32, #tpu.memory_space<hbm>>
      tpu.wait_indirect_dma semaphore(%arg16 : memref<!tpu.dma_semaphore, #tpu.memory_space<semaphore_mem>>) src(%dma_wait3A_308 : memref<352768x128xf32, #tpu.memory_space<hbm>>) dst(%dma_wait3A_305 : memref<128x128xf32, #tpu.memory_space<vmem>>)
      %dma_start3A_309 = arith.constant 1 : i32
      %dma_start3A_310 = arith.constant 0 : i32
      %dma_start3A_311 = arith.constant 0 : i32
      %dma_start3A_312 = tpu.memref_slice %arg11[%dma_start3A_309, %dma_start3A_310, %dma_start3A_311] : memref<2x128x128xf32, #tpu.memory_space<vmem>> -> memref<1x128x128xf32, #tpu.memory_space<vmem>>
      %dma_start3A_313 = tpu.memref_squeeze %dma_start3A_312 : memref<1x128x128xf32, #tpu.memory_space<vmem>> -> memref<128x128xf32, #tpu.memory_space<vmem>>
      %dma_start3A_314 = arith.constant 0 : i32
      %dma_start3A_315 = arith.constant 0 : i32
      %dma_start3A_316 = tpu.memref_slice %arg12[%dma_start3A_314, %dma_start3A_315] : memref<10112x128xf32, #tpu.memory_space<vmem_shared>> -> memref<10112x128xf32, #tpu.memory_space<vmem_shared>>
      tpu.enqueue_indirect_dma source(%dma_start3A_313 : memref<128x128xf32, #tpu.memory_space<vmem>>) target(%dma_start3A_316 : memref<10112x128xf32, #tpu.memory_space<vmem_shared>>) offsets(%arg10 : memref<128xi32, #tpu.memory_space<vmem>>) semaphore(%arg18 : memref<!tpu.dma_semaphore, #tpu.memory_space<semaphore_mem>>) {add = true}
    }
    %scan3A_103 = arith.constant 38 : i32
    %dma_wait3A_104 = arith.constant 1 : i32
    %dma_wait3A_105 = arith.constant 0 : i32
    %dma_wait3A_106 = arith.constant 0 : i32
    %dma_wait3A_107 = tpu.memref_slice %arg11[%dma_wait3A_104, %dma_wait3A_105, %dma_wait3A_106] : memref<2x128x128xf32, #tpu.memory_space<vmem>> -> memref<1x128x128xf32, #tpu.memory_space<vmem>>
    %dma_wait3A_108 = tpu.memref_squeeze %dma_wait3A_107 : memref<1x128x128xf32, #tpu.memory_space<vmem>> -> memref<128x128xf32, #tpu.memory_space<vmem>>
    %dma_wait3A_109 = arith.constant 0 : i32
    %dma_wait3A_110 = arith.constant 0 : i32
    %dma_wait3A_111 = tpu.memref_slice %arg12[%dma_wait3A_109, %dma_wait3A_110] : memref<10112x128xf32, #tpu.memory_space<vmem_shared>> -> memref<10112x128xf32, #tpu.memory_space<vmem_shared>>
    tpu.wait_indirect_dma semaphore(%arg18 : memref<!tpu.dma_semaphore, #tpu.memory_space<semaphore_mem>>) src(%dma_wait3A_108 : memref<128x128xf32, #tpu.memory_space<vmem>>) dst(%dma_wait3A_111 : memref<10112x128xf32, #tpu.memory_space<vmem_shared>>)
    %add3A_112 = arith.constant 2528 : i32
    %add3A_113 = arith.addi %add3A, %add3A_112 : i32
    %mul3A_114 = arith.constant 128 : i32
    %mul3A_115 = arith.muli %add3A_113, %mul3A_114 : i32
    %dma_start3A_116 = tpu.memref_slice %arg2[%mul3A_115] : memref<331776xi32, #tpu.memory_space<hbm>> -> memref<128xi32, #tpu.memory_space<hbm>>
    %dma_start3A_117 = tpu.memref_slice %arg2[%mul3A_115] : memref<331776xi32, #tpu.memory_space<hbm>> -> memref<128xi32, #tpu.memory_space<hbm>>
    tpu.enqueue_dma source(%dma_start3A_117 : memref<128xi32, #tpu.memory_space<hbm>>) target(%arg8 : memref<128xi32, #tpu.memory_space<vmem>>) target_semaphore(%arg14 : memref<!tpu.dma_semaphore, #tpu.memory_space<semaphore_mem>>)
    %dma_start3A_118 = tpu.memref_slice %arg3[%mul3A_115] : memref<331776xi32, #tpu.memory_space<hbm>> -> memref<128xi32, #tpu.memory_space<hbm>>
    %dma_start3A_119 = tpu.memref_slice %arg3[%mul3A_115] : memref<331776xi32, #tpu.memory_space<hbm>> -> memref<128xi32, #tpu.memory_space<hbm>>
    tpu.enqueue_dma source(%dma_start3A_119 : memref<128xi32, #tpu.memory_space<hbm>>) target(%arg10 : memref<128xi32, #tpu.memory_space<vmem>>) target_semaphore(%arg14 : memref<!tpu.dma_semaphore, #tpu.memory_space<semaphore_mem>>)
    %dma_wait3A_120 = arith.constant 0 : i32
    %dma_wait3A_121 = tpu.memref_slice %arg2[%dma_wait3A_120] : memref<331776xi32, #tpu.memory_space<hbm>> -> memref<128xi32, #tpu.memory_space<hbm>>
    %dma_wait3A_122 = arith.constant 0 : i32
    %dma_wait3A_123 = tpu.memref_slice %arg2[%dma_wait3A_122] : memref<331776xi32, #tpu.memory_space<hbm>> -> memref<128xi32, #tpu.memory_space<hbm>>
    tpu.wait_dma2 semaphore(%arg13 : memref<!tpu.dma_semaphore, #tpu.memory_space<semaphore_mem>>) src(%dma_wait3A_123 : memref<128xi32, #tpu.memory_space<hbm>>) dst(%arg7 : memref<128xi32, #tpu.memory_space<vmem>>)
    %dma_wait3A_124 = arith.constant 0 : i32
    %dma_wait3A_125 = tpu.memref_slice %arg3[%dma_wait3A_124] : memref<331776xi32, #tpu.memory_space<hbm>> -> memref<128xi32, #tpu.memory_space<hbm>>
    %dma_wait3A_126 = arith.constant 0 : i32
    %dma_wait3A_127 = tpu.memref_slice %arg3[%dma_wait3A_126] : memref<331776xi32, #tpu.memory_space<hbm>> -> memref<128xi32, #tpu.memory_space<hbm>>
    tpu.wait_dma2 semaphore(%arg13 : memref<!tpu.dma_semaphore, #tpu.memory_space<semaphore_mem>>) src(%dma_wait3A_127 : memref<128xi32, #tpu.memory_space<hbm>>) dst(%arg9 : memref<128xi32, #tpu.memory_space<vmem>>)
    %dma_start3A_128 = arith.constant 0 : i32
    %dma_start3A_129 = arith.constant 0 : i32
    %dma_start3A_130 = arith.constant 0 : i32
    %dma_start3A_131 = tpu.memref_slice %arg11[%dma_start3A_128, %dma_start3A_129, %dma_start3A_130] : memref<2x128x128xf32, #tpu.memory_space<vmem>> -> memref<1x128x128xf32, #tpu.memory_space<vmem>>
    %dma_start3A_132 = tpu.memref_squeeze %dma_start3A_131 : memref<1x128x128xf32, #tpu.memory_space<vmem>> -> memref<128x128xf32, #tpu.memory_space<vmem>>
    %dma_start3A_133 = arith.constant 0 : i32
    %dma_start3A_134 = arith.constant 0 : i32
    %dma_start3A_135 = tpu.memref_slice %arg4[%dma_start3A_133, %dma_start3A_134] : memref<352768x128xf32, #tpu.memory_space<hbm>> -> memref<352768x128xf32, #tpu.memory_space<hbm>>
    tpu.enqueue_indirect_dma source(%dma_start3A_135 : memref<352768x128xf32, #tpu.memory_space<hbm>>) target(%dma_start3A_132 : memref<128x128xf32, #tpu.memory_space<vmem>>) offsets(%arg7 : memref<128xi32, #tpu.memory_space<vmem>>) semaphore(%arg15 : memref<!tpu.dma_semaphore, #tpu.memory_space<semaphore_mem>>)
    %dma_wait3A_136 = arith.constant 0 : i32
    %dma_wait3A_137 = arith.constant 0 : i32
    %dma_wait3A_138 = arith.constant 0 : i32
    %dma_wait3A_139 = tpu.memref_slice %arg11[%dma_wait3A_136, %dma_wait3A_137, %dma_wait3A_138] : memref<2x128x128xf32, #tpu.memory_space<vmem>> -> memref<1x128x128xf32, #tpu.memory_space<vmem>>
    %dma_wait3A_140 = tpu.memref_squeeze %dma_wait3A_139 : memref<1x128x128xf32, #tpu.memory_space<vmem>> -> memref<128x128xf32, #tpu.memory_space<vmem>>
    %dma_wait3A_141 = arith.constant 0 : i32
    %dma_wait3A_142 = arith.constant 0 : i32
    %dma_wait3A_143 = tpu.memref_slice %arg4[%dma_wait3A_141, %dma_wait3A_142] : memref<352768x128xf32, #tpu.memory_space<hbm>> -> memref<352768x128xf32, #tpu.memory_space<hbm>>
    tpu.wait_indirect_dma semaphore(%arg15 : memref<!tpu.dma_semaphore, #tpu.memory_space<semaphore_mem>>) src(%dma_wait3A_143 : memref<352768x128xf32, #tpu.memory_space<hbm>>) dst(%dma_wait3A_140 : memref<128x128xf32, #tpu.memory_space<vmem>>)
    %dma_start3A_144 = arith.constant 0 : i32
    %dma_start3A_145 = arith.constant 0 : i32
    %dma_start3A_146 = arith.constant 0 : i32
    %dma_start3A_147 = tpu.memref_slice %arg11[%dma_start3A_144, %dma_start3A_145, %dma_start3A_146] : memref<2x128x128xf32, #tpu.memory_space<vmem>> -> memref<1x128x128xf32, #tpu.memory_space<vmem>>
    %dma_start3A_148 = tpu.memref_squeeze %dma_start3A_147 : memref<1x128x128xf32, #tpu.memory_space<vmem>> -> memref<128x128xf32, #tpu.memory_space<vmem>>
    %dma_start3A_149 = arith.constant 0 : i32
    %dma_start3A_150 = arith.constant 0 : i32
    %dma_start3A_151 = tpu.memref_slice %arg12[%dma_start3A_149, %dma_start3A_150] : memref<10112x128xf32, #tpu.memory_space<vmem_shared>> -> memref<10112x128xf32, #tpu.memory_space<vmem_shared>>
    tpu.enqueue_indirect_dma source(%dma_start3A_148 : memref<128x128xf32, #tpu.memory_space<vmem>>) target(%dma_start3A_151 : memref<10112x128xf32, #tpu.memory_space<vmem_shared>>) offsets(%arg9 : memref<128xi32, #tpu.memory_space<vmem>>) semaphore(%arg17 : memref<!tpu.dma_semaphore, #tpu.memory_space<semaphore_mem>>) {add = true}
    %dma_wait3A_152 = arith.constant 0 : i32
    %dma_wait3A_153 = arith.constant 0 : i32
    %dma_wait3A_154 = arith.constant 0 : i32
    %dma_wait3A_155 = tpu.memref_slice %arg11[%dma_wait3A_152, %dma_wait3A_153, %dma_wait3A_154] : memref<2x128x128xf32, #tpu.memory_space<vmem>> -> memref<1x128x128xf32, #tpu.memory_space<vmem>>
    %dma_wait3A_156 = tpu.memref_squeeze %dma_wait3A_155 : memref<1x128x128xf32, #tpu.memory_space<vmem>> -> memref<128x128xf32, #tpu.memory_space<vmem>>
    %dma_wait3A_157 = arith.constant 0 : i32
    %dma_wait3A_158 = arith.constant 0 : i32
    %dma_wait3A_159 = tpu.memref_slice %arg12[%dma_wait3A_157, %dma_wait3A_158] : memref<10112x128xf32, #tpu.memory_space<vmem_shared>> -> memref<10112x128xf32, #tpu.memory_space<vmem_shared>>
    tpu.wait_indirect_dma semaphore(%arg17 : memref<!tpu.dma_semaphore, #tpu.memory_space<semaphore_mem>>) src(%dma_wait3A_156 : memref<128x128xf32, #tpu.memory_space<vmem>>) dst(%dma_wait3A_159 : memref<10112x128xf32, #tpu.memory_space<vmem_shared>>)
    %dma_wait3A_160 = arith.constant 0 : i32
    %dma_wait3A_161 = tpu.memref_slice %arg2[%dma_wait3A_160] : memref<331776xi32, #tpu.memory_space<hbm>> -> memref<128xi32, #tpu.memory_space<hbm>>
    %dma_wait3A_162 = arith.constant 0 : i32
    %dma_wait3A_163 = tpu.memref_slice %arg2[%dma_wait3A_162] : memref<331776xi32, #tpu.memory_space<hbm>> -> memref<128xi32, #tpu.memory_space<hbm>>
    tpu.wait_dma2 semaphore(%arg14 : memref<!tpu.dma_semaphore, #tpu.memory_space<semaphore_mem>>) src(%dma_wait3A_163 : memref<128xi32, #tpu.memory_space<hbm>>) dst(%arg8 : memref<128xi32, #tpu.memory_space<vmem>>)
    %dma_wait3A_164 = arith.constant 0 : i32
    %dma_wait3A_165 = tpu.memref_slice %arg3[%dma_wait3A_164] : memref<331776xi32, #tpu.memory_space<hbm>> -> memref<128xi32, #tpu.memory_space<hbm>>
    %dma_wait3A_166 = arith.constant 0 : i32
    %dma_wait3A_167 = tpu.memref_slice %arg3[%dma_wait3A_166] : memref<331776xi32, #tpu.memory_space<hbm>> -> memref<128xi32, #tpu.memory_space<hbm>>
    tpu.wait_dma2 semaphore(%arg14 : memref<!tpu.dma_semaphore, #tpu.memory_space<semaphore_mem>>) src(%dma_wait3A_167 : memref<128xi32, #tpu.memory_space<hbm>>) dst(%arg10 : memref<128xi32, #tpu.memory_space<vmem>>)
    %dma_start3A_168 = arith.constant 1 : i32
    %dma_start3A_169 = arith.constant 0 : i32
    %dma_start3A_170 = arith.constant 0 : i32
    %dma_start3A_171 = tpu.memref_slice %arg11[%dma_start3A_168, %dma_start3A_169, %dma_start3A_170] : memref<2x128x128xf32, #tpu.memory_space<vmem>> -> memref<1x128x128xf32, #tpu.memory_space<vmem>>
    %dma_start3A_172 = tpu.memref_squeeze %dma_start3A_171 : memref<1x128x128xf32, #tpu.memory_space<vmem>> -> memref<128x128xf32, #tpu.memory_space<vmem>>
    %dma_start3A_173 = arith.constant 0 : i32
    %dma_start3A_174 = arith.constant 0 : i32
    %dma_start3A_175 = tpu.memref_slice %arg4[%dma_start3A_173, %dma_start3A_174] : memref<352768x128xf32, #tpu.memory_space<hbm>> -> memref<352768x128xf32, #tpu.memory_space<hbm>>
    tpu.enqueue_indirect_dma source(%dma_start3A_175 : memref<352768x128xf32, #tpu.memory_space<hbm>>) target(%dma_start3A_172 : memref<128x128xf32, #tpu.memory_space<vmem>>) offsets(%arg8 : memref<128xi32, #tpu.memory_space<vmem>>) semaphore(%arg16 : memref<!tpu.dma_semaphore, #tpu.memory_space<semaphore_mem>>)
    %dma_wait3A_176 = arith.constant 1 : i32
    %dma_wait3A_177 = arith.constant 0 : i32
    %dma_wait3A_178 = arith.constant 0 : i32
    %dma_wait3A_179 = tpu.memref_slice %arg11[%dma_wait3A_176, %dma_wait3A_177, %dma_wait3A_178] : memref<2x128x128xf32, #tpu.memory_space<vmem>> -> memref<1x128x128xf32, #tpu.memory_space<vmem>>
    %dma_wait3A_180 = tpu.memref_squeeze %dma_wait3A_179 : memref<1x128x128xf32, #tpu.memory_space<vmem>> -> memref<128x128xf32, #tpu.memory_space<vmem>>
    %dma_wait3A_181 = arith.constant 0 : i32
    %dma_wait3A_182 = arith.constant 0 : i32
    %dma_wait3A_183 = tpu.memref_slice %arg4[%dma_wait3A_181, %dma_wait3A_182] : memref<352768x128xf32, #tpu.memory_space<hbm>> -> memref<352768x128xf32, #tpu.memory_space<hbm>>
    tpu.wait_indirect_dma semaphore(%arg16 : memref<!tpu.dma_semaphore, #tpu.memory_space<semaphore_mem>>) src(%dma_wait3A_183 : memref<352768x128xf32, #tpu.memory_space<hbm>>) dst(%dma_wait3A_180 : memref<128x128xf32, #tpu.memory_space<vmem>>)
    %dma_start3A_184 = arith.constant 1 : i32
    %dma_start3A_185 = arith.constant 0 : i32
    %dma_start3A_186 = arith.constant 0 : i32
    %dma_start3A_187 = tpu.memref_slice %arg11[%dma_start3A_184, %dma_start3A_185, %dma_start3A_186] : memref<2x128x128xf32, #tpu.memory_space<vmem>> -> memref<1x128x128xf32, #tpu.memory_space<vmem>>
    %dma_start3A_188 = tpu.memref_squeeze %dma_start3A_187 : memref<1x128x128xf32, #tpu.memory_space<vmem>> -> memref<128x128xf32, #tpu.memory_space<vmem>>
    %dma_start3A_189 = arith.constant 0 : i32
    %dma_start3A_190 = arith.constant 0 : i32
    %dma_start3A_191 = tpu.memref_slice %arg12[%dma_start3A_189, %dma_start3A_190] : memref<10112x128xf32, #tpu.memory_space<vmem_shared>> -> memref<10112x128xf32, #tpu.memory_space<vmem_shared>>
    tpu.enqueue_indirect_dma source(%dma_start3A_188 : memref<128x128xf32, #tpu.memory_space<vmem>>) target(%dma_start3A_191 : memref<10112x128xf32, #tpu.memory_space<vmem_shared>>) offsets(%arg10 : memref<128xi32, #tpu.memory_space<vmem>>) semaphore(%arg18 : memref<!tpu.dma_semaphore, #tpu.memory_space<semaphore_mem>>) {add = true}
    %dma_wait3A_192 = arith.constant 1 : i32
    %dma_wait3A_193 = arith.constant 0 : i32
    %dma_wait3A_194 = arith.constant 0 : i32
    %dma_wait3A_195 = tpu.memref_slice %arg11[%dma_wait3A_192, %dma_wait3A_193, %dma_wait3A_194] : memref<2x128x128xf32, #tpu.memory_space<vmem>> -> memref<1x128x128xf32, #tpu.memory_space<vmem>>
    %dma_wait3A_196 = tpu.memref_squeeze %dma_wait3A_195 : memref<1x128x128xf32, #tpu.memory_space<vmem>> -> memref<128x128xf32, #tpu.memory_space<vmem>>
    %dma_wait3A_197 = arith.constant 0 : i32
    %dma_wait3A_198 = arith.constant 0 : i32
    %dma_wait3A_199 = tpu.memref_slice %arg12[%dma_wait3A_197, %dma_wait3A_198] : memref<10112x128xf32, #tpu.memory_space<vmem_shared>> -> memref<10112x128xf32, #tpu.memory_space<vmem_shared>>
    tpu.wait_indirect_dma semaphore(%arg18 : memref<!tpu.dma_semaphore, #tpu.memory_space<semaphore_mem>>) src(%dma_wait3A_196 : memref<128x128xf32, #tpu.memory_space<vmem>>) dst(%dma_wait3A_199 : memref<10112x128xf32, #tpu.memory_space<vmem_shared>>)
    %barrier3A_200 = arith.constant 0 : index
    tpu.barrier barrier_id(%barrier3A_200)
    %mul3A_201 = arith.constant 632 : i32
    %mul3A_202 = arith.muli %arg1, %mul3A_201 : i32
    %mul3A_203 = arith.constant 10112 : i32
    %mul3A_204 = arith.muli %arg0, %mul3A_203 : i32
    %mul3A_205 = arith.constant 632 : i32
    %mul3A_206 = arith.muli %arg1, %mul3A_205 : i32
    %add3A_207 = arith.addi %mul3A_204, %mul3A_206 : i32
    "tpu.region"() ({
      %run_scoped3A = tpu.sem_alloc : memref<!tpu.dma_semaphore, #tpu.memory_space<semaphore_mem>>
      %dma_start3A_208 = arith.constant 0 : i32
      %dma_start3A_209 = tpu.memref_slice %arg6[%add3A_207, %dma_start3A_208] : memref<20224x128xf32, #tpu.memory_space<hbm>> -> memref<632x128xf32, #tpu.memory_space<hbm>>
      %dma_start3A_210 = arith.constant 0 : i32
      %dma_start3A_211 = tpu.memref_slice %arg12[%mul3A_202, %dma_start3A_210] : memref<10112x128xf32, #tpu.memory_space<vmem_shared>> -> memref<632x128xf32, #tpu.memory_space<vmem_shared>>
      tpu.enqueue_dma source(%dma_start3A_211 : memref<632x128xf32, #tpu.memory_space<vmem_shared>>) target(%dma_start3A_209 : memref<632x128xf32, #tpu.memory_space<hbm>>) target_semaphore(%run_scoped3A : memref<!tpu.dma_semaphore, #tpu.memory_space<semaphore_mem>>)
      %dma_wait3A_212 = arith.constant 0 : i32
      %dma_wait3A_213 = tpu.memref_slice %arg6[%add3A_207, %dma_wait3A_212] : memref<20224x128xf32, #tpu.memory_space<hbm>> -> memref<632x128xf32, #tpu.memory_space<hbm>>
      %dma_wait3A_214 = arith.constant 0 : i32
      %dma_wait3A_215 = tpu.memref_slice %arg12[%mul3A_202, %dma_wait3A_214] : memref<10112x128xf32, #tpu.memory_space<vmem_shared>> -> memref<632x128xf32, #tpu.memory_space<vmem_shared>>
      tpu.wait_dma2 semaphore(%run_scoped3A : memref<!tpu.dma_semaphore, #tpu.memory_space<semaphore_mem>>) src(%dma_wait3A_215 : memref<632x128xf32, #tpu.memory_space<vmem_shared>>) dst(%dma_wait3A_213 : memref<632x128xf32, #tpu.memory_space<hbm>>)
      tpu.yield
    }) : () -> ()
    return
  }
}

module attributes {stable_mosaic.version = 14 : i64} {
  func.func @count_body(%arg0: i32, %arg1: memref<1x128x128xi32, #tpu.memory_space<vmem>>, %arg2: memref<1x1x64xf32, #tpu.memory_space<vmem>>, %arg3: memref<1x1x64xf32, #tpu.memory_space<vmem>>, %arg4: memref<8x64xf32, #tpu.memory_space<vmem>>) attributes {dimension_semantics = [#tpu.dimension_semantics<arbitrary>], iteration_bounds = array<i64: 20>, scalar_prefetch = 0 : i64, scratch_operands = 1 : i64, tpu.core_type = #tpu.core_type<tc>, window_params = [{transform_indices = @transform_0, window_bounds = array<i64: 1, 128, 128>}, {transform_indices = @transform_1, window_bounds = array<i64: 1, 1, 64>}, {transform_indices = @transform_2, window_bounds = array<i64: 1, 1, 64>}]} {
    %get3A = arith.constant 0 : index
    %get3A_0 = arith.constant 0 : index
    %get3A_1 = arith.constant 0 : index
    %get3A_2 = vector.load %arg1[%get3A, %get3A_0, %get3A_1] : memref<1x128x128xi32, #tpu.memory_space<vmem>>, vector<1x128x128xi32>
    %get3A_3 = vector.shape_cast %get3A_2 : vector<1x128x128xi32> to vector<128x128xi32>
    %iota3A = tpu.iota {dimensions = array<i32: 1>} : vector<128x64x128xi32>
    %broadcast_in_dim3A = vector.shape_cast %get3A_3 : vector<128x128xi32> to vector<128x1x128xi32>
    %eq3A = vector.broadcast %broadcast_in_dim3A : vector<128x1x128xi32> to vector<128x64x128xi32>
    %eq3A_4 = arith.cmpi eq, %eq3A, %iota3A : vector<128x64x128xi32>
    %convert_element_type3A = arith.extui %eq3A_4 : vector<128x64x128xi1> to vector<128x64x128xi32>
    %convert_element_type3A_5 = arith.sitofp %convert_element_type3A : vector<128x64x128xi32> to vector<128x64x128xf32>
    %reduce_sum3A = arith.constant dense<0.000000e+00> : vector<64xf32>
    %reduce_sum3A_6 = vector.multi_reduction <add>, %convert_element_type3A_5, %reduce_sum3A [0, 2] : vector<128x64x128xf32> to vector<64xf32>
    %eq3A_7 = arith.constant 0 : i32
    %eq3A_8 = arith.cmpi eq, %arg0, %eq3A_7 : i32
    %convert_element_type3A_9 = arith.extui %eq3A_8 : i1 to i32
    %cond3A = arith.constant 0 : i32
    %cond3A_10 = arith.cmpi ne, %convert_element_type3A_9, %cond3A : i32
    scf.if %cond3A_10 {
      %broadcast_in_dim3A_30 = arith.constant 0.000000e+00 : f32
      %broadcast_in_dim3A_31 = vector.broadcast %broadcast_in_dim3A_30 : f32 to vector<8x64xf32>
      %swap3A_32 = arith.constant 0 : index
      %swap3A_33 = arith.constant 0 : index
      %swap3A_34 = vector.load %arg4[%swap3A_32, %swap3A_33] : memref<8x64xf32, #tpu.memory_space<vmem>>, vector<8x64xf32>
      tpu.vector_store %arg4[%swap3A_32, %swap3A_33], %broadcast_in_dim3A_31 {strides = array<i32>} : memref<8x64xf32, #tpu.memory_space<vmem>>, vector<8x64xf32>,
    } else {
    }
    %get3A_11 = arith.constant 0 : index
    %get3A_12 = arith.constant 0 : index
    %get3A_13 = vector.load %arg4[%get3A_11, %get3A_12] : memref<8x64xf32, #tpu.memory_space<vmem>>, vector<1x64xf32>
    %broadcast_in_dim3A_14 = vector.shape_cast %get3A_13 : vector<1x64xf32> to vector<1x1x64xf32>
    %swap3A = arith.constant 0 : index
    %swap3A_15 = arith.constant 0 : index
    %swap3A_16 = arith.constant 0 : index
    %swap3A_17 = vector.load %arg2[%swap3A, %swap3A_15, %swap3A_16] : memref<1x1x64xf32, #tpu.memory_space<vmem>>, vector<1x1x64xf32>
    tpu.vector_store %arg2[%swap3A, %swap3A_15, %swap3A_16], %broadcast_in_dim3A_14 {strides = array<i32>} : memref<1x1x64xf32, #tpu.memory_space<vmem>>, vector<1x1x64xf32>,
    %broadcast_in_dim3A_18 = vector.shape_cast %reduce_sum3A_6 : vector<64xf32> to vector<1x1x64xf32>
    %swap3A_19 = arith.constant 0 : index
    %swap3A_20 = arith.constant 0 : index
    %swap3A_21 = arith.constant 0 : index
    %swap3A_22 = vector.load %arg3[%swap3A_19, %swap3A_20, %swap3A_21] : memref<1x1x64xf32, #tpu.memory_space<vmem>>, vector<1x1x64xf32>
    tpu.vector_store %arg3[%swap3A_19, %swap3A_20, %swap3A_21], %broadcast_in_dim3A_18 {strides = array<i32>} : memref<1x1x64xf32, #tpu.memory_space<vmem>>, vector<1x1x64xf32>,
    %get3A_23 = arith.constant 0 : index
    %get3A_24 = arith.constant 0 : index
    %get3A_25 = vector.load %arg4[%get3A_23, %get3A_24] : memref<8x64xf32, #tpu.memory_space<vmem>>, vector<1x64xf32>
    %broadcast_in_dim3A_26 = vector.shape_cast %reduce_sum3A_6 : vector<64xf32> to vector<1x64xf32>
    %add3A = arith.addf %get3A_25, %broadcast_in_dim3A_26 : vector<1x64xf32>
    %swap3A_27 = arith.constant 0 : index
    %swap3A_28 = arith.constant 0 : index
    %swap3A_29 = vector.load %arg4[%swap3A_27, %swap3A_28] : memref<8x64xf32, #tpu.memory_space<vmem>>, vector<1x64xf32>
    tpu.vector_store %arg4[%swap3A_27, %swap3A_28], %add3A {strides = array<i32>} : memref<8x64xf32, #tpu.memory_space<vmem>>, vector<1x64xf32>,
    return
  }
  func.func @transform_0(%arg0: i32) -> (i32, i32, i32) {
    %c0_i32 = arith.constant 0 : i32
    %c0_i32_0 = arith.constant 0 : i32
    %c0_i32_1 = arith.constant 0 : i32
    return %arg0, %c0_i32, %c0_i32_0 : i32, i32, i32
  }
  func.func @transform_1(%arg0: i32) -> (i32, i32, i32) {
    %c0_i32 = arith.constant 0 : i32
    %c0_i32_0 = arith.constant 0 : i32
    %c0_i32_1 = arith.constant 0 : i32
    return %arg0, %c0_i32, %c0_i32_0 : i32, i32, i32
  }
  func.func @transform_2(%arg0: i32) -> (i32, i32, i32) {
    %c0_i32 = arith.constant 0 : i32
    %c0_i32_0 = arith.constant 0 : i32
    %c0_i32_1 = arith.constant 0 : i32
    return %arg0, %c0_i32, %c0_i32_0 : i32, i32, i32
  }
}

module attributes {stable_mosaic.version = 14 : i64} {
  func.func @slot_body(%arg0: i32, %arg1: memref<1x128x128xi32, #tpu.memory_space<vmem>>, %arg2: memref<1x1x64xf32, #tpu.memory_space<vmem>>, %arg3: memref<128x128xf32, #tpu.memory_space<vmem>>, %arg4: memref<128x128xf32, #tpu.memory_space<vmem>>, %arg5: memref<1x128x128xi32, #tpu.memory_space<vmem>>) attributes {dimension_semantics = [#tpu.dimension_semantics<arbitrary>], iteration_bounds = array<i64: 20>, scalar_prefetch = 0 : i64, scratch_operands = 0 : i64, tpu.core_type = #tpu.core_type<tc>, window_params = [{transform_indices = @transform_0, window_bounds = array<i64: 1, 128, 128>}, {transform_indices = @transform_1, window_bounds = array<i64: 1, 1, 64>}, {pipeline_mode = #tpu.pipeline_mode<synchronous>, transform_indices = @transform_2, window_bounds = array<i64: 128, 128>}, {pipeline_mode = #tpu.pipeline_mode<synchronous>, transform_indices = @transform_3, window_bounds = array<i64: 128, 128>}, {transform_indices = @transform_4, window_bounds = array<i64: 1, 128, 128>}]} {
    %get3A = arith.constant 0 : index
    %get3A_0 = arith.constant 0 : index
    %get3A_1 = arith.constant 0 : index
    %get3A_2 = vector.load %arg1[%get3A, %get3A_0, %get3A_1] : memref<1x128x128xi32, #tpu.memory_space<vmem>>, vector<1x128x128xi32>
    %get3A_3 = vector.shape_cast %get3A_2 : vector<1x128x128xi32> to vector<128x128xi32>
    %iota3A = tpu.iota {dimensions = array<i32: 1>} : vector<128x64x128xi32>
    %broadcast_in_dim3A = vector.shape_cast %get3A_3 : vector<128x128xi32> to vector<128x1x128xi32>
    %eq3A = vector.broadcast %broadcast_in_dim3A : vector<128x1x128xi32> to vector<128x64x128xi32>
    %eq3A_4 = arith.cmpi eq, %eq3A, %iota3A : vector<128x64x128xi32>
    %convert_element_type3A = arith.extui %eq3A_4 : vector<128x64x128xi1> to vector<128x64x128xi32>
    %convert_element_type3A_5 = arith.sitofp %convert_element_type3A : vector<128x64x128xi32> to vector<128x64x128xf32>
    %get3A_6 = arith.constant 0 : index
    %get3A_7 = arith.constant 0 : index
    %get3A_8 = vector.load %arg3[%get3A_6, %get3A_7] : memref<128x128xf32, #tpu.memory_space<vmem>>, vector<128x128xf32>
    %dot_general3A = arith.constant dense<0.000000e+00> : vector<128x64x128xf32>
    %dot_general3A_9 = tpu.matmul %convert_element_type3A_5, %get3A_8, %dot_general3A {dimension_numbers = #tpu.dot_dimension_numbers<[2], [0], [0, 1], [1], [0, 0, 0, 1, 1, 1], [], []>, transpose_lhs_hint = false} : vector<128x64x128xf32>, vector<128x128xf32>, vector<128x64x128xf32> -> vector<128x64x128xf32>
    %slice3A = vector.extract_strided_slice %dot_general3A_9 {offsets = [0, 0, 127], sizes = [128, 64, 1], strides = [1, 1, 1]} : vector<128x64x128xf32> to vector<128x64x1xf32>
    %squeeze3A = vector.shape_cast %slice3A : vector<128x64x1xf32> to vector<128x64xf32>
    %get3A_10 = arith.constant 0 : index
    %get3A_11 = arith.constant 0 : index
    %get3A_12 = vector.load %arg4[%get3A_10, %get3A_11] : memref<128x128xf32, #tpu.memory_space<vmem>>, vector<128x128xf32>
    %dot_general3A_13 = arith.constant dense<0.000000e+00> : vector<128x64xf32>
    %dot_general3A_14 = tpu.matmul %get3A_12, %squeeze3A, %dot_general3A_13 {dimension_numbers = #tpu.dot_dimension_numbers<[1], [0], [0], [1], [0, 0, 1, 1], [], []>, transpose_lhs_hint = false} : vector<128x128xf32>, vector<128x64xf32>, vector<128x64xf32> -> vector<128x64xf32>
    %broadcast_in_dim3A_15 = vector.shape_cast %dot_general3A_14 : vector<128x64xf32> to vector<128x64x1xf32>
    %add3A = vector.broadcast %broadcast_in_dim3A_15 : vector<128x64x1xf32> to vector<128x64x128xf32>
    %add3A_16 = arith.addf %dot_general3A_9, %add3A : vector<128x64x128xf32>
    %get3A_17 = arith.constant 0 : index
    %get3A_18 = arith.constant 0 : index
    %get3A_19 = arith.constant 0 : index
    %get3A_20 = vector.load %arg2[%get3A_17, %get3A_18, %get3A_19] : memref<1x1x64xf32, #tpu.memory_space<vmem>>, vector<1x1x64xf32>
    %get3A_21 = vector.shape_cast %get3A_20 : vector<1x1x64xf32> to vector<64xf32>
    %broadcast_in_dim3A_22 = vector.shape_cast %get3A_21 : vector<64xf32> to vector<1x64x1xf32>
    %add3A_23 = vector.broadcast %broadcast_in_dim3A_22 : vector<1x64x1xf32> to vector<128x64x128xf32>
    %add3A_24 = arith.addf %add3A_16, %add3A_23 : vector<128x64x128xf32>
    %mul3A = arith.mulf %convert_element_type3A_5, %add3A_24 : vector<128x64x128xf32>
    %reduce_sum3A = arith.constant dense<0.000000e+00> : vector<128x128xf32>
    %reduce_sum3A_25 = vector.multi_reduction <add>, %mul3A, %reduce_sum3A [1] : vector<128x64x128xf32> to vector<128x128xf32>
    %broadcast_in_dim3A_26 = vector.shape_cast %reduce_sum3A_25 : vector<128x128xf32> to vector<1x128x128xf32>
    %convert_element_type3A_27 = arith.fptosi %broadcast_in_dim3A_26 : vector<1x128x128xf32> to vector<1x128x128xi32>
    %swap3A = arith.constant 0 : index
    %swap3A_28 = arith.constant 0 : index
    %swap3A_29 = arith.constant 0 : index
    %swap3A_30 = vector.load %arg5[%swap3A, %swap3A_28, %swap3A_29] : memref<1x128x128xi32, #tpu.memory_space<vmem>>, vector<1x128x128xi32>
    tpu.vector_store %arg5[%swap3A, %swap3A_28, %swap3A_29], %convert_element_type3A_27 {strides = array<i32>} : memref<1x128x128xi32, #tpu.memory_space<vmem>>, vector<1x128x128xi32>,
    return
  }
  func.func @transform_0(%arg0: i32) -> (i32, i32, i32) {
    %c0_i32 = arith.constant 0 : i32
    %c0_i32_0 = arith.constant 0 : i32
    %c0_i32_1 = arith.constant 0 : i32
    return %arg0, %c0_i32, %c0_i32_0 : i32, i32, i32
  }
  func.func @transform_1(%arg0: i32) -> (i32, i32, i32) {
    %c0_i32 = arith.constant 0 : i32
    %c0_i32_0 = arith.constant 0 : i32
    %c0_i32_1 = arith.constant 0 : i32
    return %arg0, %c0_i32, %c0_i32_0 : i32, i32, i32
  }
  func.func @transform_2(%arg0: i32) -> (i32, i32) {
    %c0_i32 = arith.constant 0 : i32
    %c0_i32_0 = arith.constant 0 : i32
    %c0_i32_1 = arith.constant 0 : i32
    return %c0_i32, %c0_i32_0 : i32, i32
  }
  func.func @transform_3(%arg0: i32) -> (i32, i32) {
    %c0_i32 = arith.constant 0 : i32
    %c0_i32_0 = arith.constant 0 : i32
    %c0_i32_1 = arith.constant 0 : i32
    return %c0_i32, %c0_i32_0 : i32, i32
  }
  func.func @transform_4(%arg0: i32) -> (i32, i32, i32) {
    %c0_i32 = arith.constant 0 : i32
    %c0_i32_0 = arith.constant 0 : i32
    %c0_i32_1 = arith.constant 0 : i32
    return %arg0, %c0_i32, %c0_i32_0 : i32, i32, i32
  }
}

module attributes {stable_mosaic.version = 14 : i64} {
  func.func @mm_body(%arg0: i32, %arg1: memref<689xi32, #tpu.memory_space<smem>>, %arg2: memref<512x128xf32, #tpu.memory_space<vmem>>, %arg3: memref<1x128x128xf32, #tpu.memory_space<vmem>>, %arg4: memref<512x128xf32, #tpu.memory_space<vmem>>) attributes {dimension_semantics = [#tpu.dimension_semantics<arbitrary>], iteration_bounds = array<i64: 689>, scalar_prefetch = 1 : i64, scratch_operands = 0 : i64, tpu.core_type = #tpu.core_type<tc>, window_params = [{transform_indices = @transform_0, window_bounds = array<i64: 512, 128>}, {transform_indices = @transform_1, window_bounds = array<i64: 1, 128, 128>}, {transform_indices = @transform_2, window_bounds = array<i64: 512, 128>}]} {
    %get3A = arith.constant 0 : index
    %get3A_0 = arith.constant 0 : index
    %get3A_1 = vector.load %arg2[%get3A, %get3A_0] : memref<512x128xf32, #tpu.memory_space<vmem>>, vector<512x128xf32>
    %get3A_2 = arith.constant 0 : index
    %get3A_3 = arith.constant 0 : index
    %get3A_4 = arith.constant 0 : index
    %get3A_5 = vector.load %arg3[%get3A_2, %get3A_3, %get3A_4] : memref<1x128x128xf32, #tpu.memory_space<vmem>>, vector<1x128x128xf32>
    %get3A_6 = vector.shape_cast %get3A_5 : vector<1x128x128xf32> to vector<128x128xf32>
    %dot_general3A = arith.constant dense<0.000000e+00> : vector<512x128xf32>
    %dot_general3A_7 = tpu.matmul %get3A_1, %get3A_6, %dot_general3A {dimension_numbers = #tpu.dot_dimension_numbers<[1], [0], [0], [1], [0, 0, 1, 1], [], []>, transpose_lhs_hint = false} : vector<512x128xf32>, vector<128x128xf32>, vector<512x128xf32> -> vector<512x128xf32>
    %swap3A = arith.constant 0 : index
    %swap3A_8 = arith.constant 0 : index
    %swap3A_9 = vector.load %arg4[%swap3A, %swap3A_8] : memref<512x128xf32, #tpu.memory_space<vmem>>, vector<512x128xf32>
    tpu.vector_store %arg4[%swap3A, %swap3A_8], %dot_general3A_7 {strides = array<i32>} : memref<512x128xf32, #tpu.memory_space<vmem>>, vector<512x128xf32>,
    return
  }
  func.func @transform_0(%arg0: i32, %arg1: memref<689xi32, #tpu.memory_space<smem>>) -> (i32, i32) {
    %c0_i32 = arith.constant 0 : i32
    %c0_i32_0 = arith.constant 0 : i32
    return %arg0, %c0_i32 : i32, i32
  }
  func.func @transform_1(%arg0: i32, %arg1: memref<689xi32, #tpu.memory_space<smem>>) -> (i32, i32, i32) {
    %get3A = arith.index_cast %arg0 : i32 to index
    %get3A_0 = memref.load %arg1[%get3A] : memref<689xi32, #tpu.memory_space<smem>>
    %c0_i32 = arith.constant 0 : i32
    %c0_i32_1 = arith.constant 0 : i32
    %c0_i32_2 = arith.constant 0 : i32
    return %get3A_0, %c0_i32, %c0_i32_1 : i32, i32, i32
  }
  func.func @transform_2(%arg0: i32, %arg1: memref<689xi32, #tpu.memory_space<smem>>) -> (i32, i32) {
    %c0_i32 = arith.constant 0 : i32
    %c0_i32_0 = arith.constant 0 : i32
    return %arg0, %c0_i32 : i32, i32
  }
}

module attributes {stable_mosaic.version = 14 : i64} {
  func.func @add_body(%arg0: i32, %arg1: memref<1x1000x128xf32, #tpu.memory_space<vmem>>, %arg2: memref<1x1000x128xf32, #tpu.memory_space<vmem>>, %arg3: memref<1000x128xf32, #tpu.memory_space<vmem>>) attributes {dimension_semantics = [#tpu.dimension_semantics<arbitrary>], iteration_bounds = array<i64: 10>, scalar_prefetch = 0 : i64, scratch_operands = 0 : i64, tpu.core_type = #tpu.core_type<tc>, window_params = [{transform_indices = @transform_0, window_bounds = array<i64: 1, 1000, 128>}, {transform_indices = @transform_1, window_bounds = array<i64: 1, 1000, 128>}, {transform_indices = @transform_2, window_bounds = array<i64: 1000, 128>}]} {
    %get3A = arith.constant 0 : index
    %get3A_0 = arith.constant 0 : index
    %get3A_1 = arith.constant 0 : index
    %get3A_2 = vector.load %arg1[%get3A, %get3A_0, %get3A_1] : memref<1x1000x128xf32, #tpu.memory_space<vmem>>, vector<1x1000x128xf32>
    %get3A_3 = vector.shape_cast %get3A_2 : vector<1x1000x128xf32> to vector<1000x128xf32>
    %get3A_4 = arith.constant 0 : index
    %get3A_5 = arith.constant 0 : index
    %get3A_6 = arith.constant 0 : index
    %get3A_7 = vector.load %arg2[%get3A_4, %get3A_5, %get3A_6] : memref<1x1000x128xf32, #tpu.memory_space<vmem>>, vector<1x1000x128xf32>
    %get3A_8 = vector.shape_cast %get3A_7 : vector<1x1000x128xf32> to vector<1000x128xf32>
    %add3A = arith.addf %get3A_3, %get3A_8 : vector<1000x128xf32>
    %swap3A = arith.constant 0 : index
    %swap3A_9 = arith.constant 0 : index
    %swap3A_10 = vector.load %arg3[%swap3A, %swap3A_9] : memref<1000x128xf32, #tpu.memory_space<vmem>>, vector<1000x128xf32>
    tpu.vector_store %arg3[%swap3A, %swap3A_9], %add3A {strides = array<i32>} : memref<1000x128xf32, #tpu.memory_space<vmem>>, vector<1000x128xf32>,
    return
  }
  func.func @transform_0(%arg0: i32) -> (i32, i32, i32) {
    %c0_i32 = arith.constant 0 : i32
    %c0_i32_0 = arith.constant 0 : i32
    %c0_i32_1 = arith.constant 0 : i32
    return %c0_i32, %arg0, %c0_i32_0 : i32, i32, i32
  }
  func.func @transform_1(%arg0: i32) -> (i32, i32, i32) {
    %c1_i32 = arith.constant 1 : i32
    %c0_i32 = arith.constant 0 : i32
    %c0_i32_0 = arith.constant 0 : i32
    return %c1_i32, %arg0, %c0_i32 : i32, i32, i32
  }
  func.func @transform_2(%arg0: i32) -> (i32, i32) {
    %c0_i32 = arith.constant 0 : i32
    %c0_i32_0 = arith.constant 0 : i32
    return %arg0, %c0_i32 : i32, i32
  }
}

</mosaic_0001>

<sc_bundles>
// kernel: kernel.11.cloned.1.call-start
scs
__scs_entry_jumppad:
0x0: {  	(pc) =	sbr.rel $0x88, $3  }
0x1: {  	(tag) =	ssettag $0x0;
	lr =	simm.s32 $0x1  }
0x2: {  	[smem:$0x3F9D] =	sst lr;
	_ =	strace $0xD0000000  }
0x3: {  	_ = 	snop  }
0x4: {  	_ = 	snop  }
0x5: {  	_ = 	snop  }
0x6: {  	_ = 	snop  }
0x7: {  	_ = 	snop  }
__scs_overlays_trampoline_lowered:
0x8: {  	[smem:$0x3FAC] =	sst s0  }
0x9: {  	[smem:$0x3FAD] =	sst s1  }
0xa: {  	[smem:$0x3FAE] =	sst s2  }
0xb: {  	[smem:$0x3FAF] =	sst s3  }
0xc: {  	[smem:$0x3FB0] =	sst s4  }
0xd: {  	[smem:$0x3FB1] =	sst s5  }
0xe: {  	[smem:$0x3FB2] =	sst s6  }
0xf: {  	[smem:$0x3FB3] =	sst s7  }
0x10: {  	[smem:$0x3FB4] =	sst s8  }
0x11: {  	[smem:$0x3FB5] =	sst s9;
	s0 =	simm.s32 @!p0 $0x0  }
0x12: {  	s1 =	sld [smem:$0x3F9B];
	s0 =	simm.s32 @p0 $0x1  }
0x13: {  	[smem:$0x3FB6] =	sst s0;
	s0 =	simm.s32 @!p1 $0x0  }
0x14: {  	s2 =	sld [smem:$0x3F9A];
	s0 =	simm.s32 @p1 $0x1  }
0x15: {  	[smem:$0x3FB7] =	sst s0;
	s0 =	simm.s32 @!p2 $0x0  }
0x16: {  	s3 =	sld [smem:$0x3FDB];
	s0 =	simm.s32 @p2 $0x1  }
0x17: {  	s4 =	simm.s32 $0x1BF5;
	[smem:$0x3FB9] =	sst s0  }
0x18: {  	s0 =	sld [smem:$0x3F9C];
	_ =	swait.ge [sflag:s4], $0x0  }
0x19: {  	s7 =	sld [smem:$0x3F9D]  }
0x1a: {  	s8 =	sadd.s32 $0xFFFFE003, lr  }
0x1b: {  	s9 =	sadd.s32 $0xFFFFFEF7, lr;
	s5 =	simm.s32 $0xFFFFFFFF;
	p2 =	slt.u32 s8, $0xFFFFF086  }
0x1c: {  	p1 =	slt.u32 s9, $0xF7A;
	s5 =	simm.s32 @!p2 $0x0  }
0x1d: {  	s5 =	simm.s32 @p1 $0x1;
	p0 =	seq.s32 s7, s2  }
0x1e: {  	s7 =	smul.u32 @!p0 $0xF7A, s2;
	p2 =	seq.s32 @!p0 s5, $0x0  }
0x1f: {  	s9 =	smul.u32 $0xF7A, s1;
	s8 =	simm.s32 @!p0 $0x1BF5;
	p2 =	por !p2, p0  }
0x20: {  	[sflag:s8] =	ssyncset.s32 @!p0 $0xFFFFF086;
	s6 =	sadd.s32 @!p0 s3, s7;
	s7 =	simm.s32 @!p0 $0x108  }
0x21: {  	s3 =	sadd.s32 s3, s9;
	s6 =	sadd.s32 @!p0 $0x88, s6;
	s7 =	simm.s32 @p2 $0x1082  }
0x22: {  	[simem:s7], [sflag:s8] =	dma.local @!p0 [hbm:s6], $0xF7A  }
0x23: {  	s9 =	sor.u32 $0xD0000000, s2;
	s6 =	simm.s32 $0x108;
	_ =	swait.ge @!p0 [sflag:s8], $0x0  }
0x24: {  	s3 =	sadd.s32 $0x88, s3;
	s6 =	simm.s32 @!p1 $0x1082;
	[sflag:s4] =	ssyncset.s32 $0xFFFFF086  }
0x25: {  	[simem:s6], [sflag:s4] =	dma.local [hbm:s3], $0xF7A  }
0x26: {  	[smem:$0x3F9D] =	sst s1;
	(tag) =	ssettag s2;
	_ =	strace s9  }
0x27: {  	s1 =	sld [smem:$0x3FAD]  }
0x28: {  	s2 =	sld [smem:$0x3FAE]  }
0x29: {  	s4 =	sld [smem:$0x3FB0]  }
0x2a: {  	p0 =	seq.s32 s5, $0x0;
	s5 =	sld [smem:$0x3FB1]  }
0x2b: {  	s6 =	sld [smem:$0x3FB2]  }
0x2c: {  	s7 =	sld [smem:$0x3FB3]  }
0x2d: {  	s3 =	simm.s32 $0x108;
	s8 =	sld [smem:$0x3FB4]  }
0x2e: {  	s3 =	simm.s32 @!p0 $0x1082;
	s9 =	sld [smem:$0x3FB5]  }
0x2f: {  	lr =	sadd.s32 s0, s3;
	s0 =	sld [smem:$0x3FAC]  }
0x30: {  	s3 =	sld [smem:$0x3FAF]  }
0x31: {  	[smem:$0x3FB8] =	sst s10  }
0x32: {  	s10 =	sld [smem:$0x3FB6];
	_ =	sdelay $0x3  }
0x33: {  	p0 =	seq.s32 s10, $0x1;
	s10 =	sld [smem:$0x3FB8];
	_ =	sdelay $0x3  }
0x34: {  	[smem:$0x3FB8] =	sst s10  }
0x35: {  	s10 =	sld [smem:$0x3FB7];
	_ =	sdelay $0x3  }
0x36: {  	p1 =	seq.s32 s10, $0x1;
	s10 =	sld [smem:$0x3FB8];
	_ =	sdelay $0x3  }
0x37: {  	[smem:$0x3FB8] =	sst s10  }
0x38: {  	s10 =	sld [smem:$0x3FB9]  }
0x39: {  	_ = 	snop;
	(pc) =	sbr.ind lr, $3  }
0x3a: {  	_ = 	snop  }
0x3b: {  	_ = 	snop  }
0x3c: {  	p2 =	seq.s32 s10, $0x1;
	s10 =	sld [smem:$0x3FB8]  }
0x3d: {  	_ =	shalt  }
0x3e: {  	_ =	shalt  }
0x3f: {  	_ =	shalt  }
0x40: {  	_ =	shalt  }
0x41: {  	_ =	shalt  }
0x42: {  	_ =	shalt  }
0x43: {  	_ =	shalt  }
0x44: {  	_ =	shalt  }
0x45: {  	_ =	shalt  }
0x46: {  	_ =	shalt  }
0x47: {  	_ =	shalt  }
0x48: {  	_ =	shalt  }
0x49: {  	_ =	shalt  }
0x4a: {  	_ =	shalt  }
0x4b: {  	_ =	shalt  }
0x4c: {  	_ =	shalt  }
0x4d: {  	_ =	shalt  }
0x4e: {  	_ =	shalt  }
0x4f: {  	_ =	shalt  }
0x50: {  	_ =	shalt  }
0x51: {  	_ =	shalt  }
0x52: {  	_ =	shalt  }
0x53: {  	_ =	shalt  }
0x54: {  	_ =	shalt  }
0x55: {  	_ =	shalt  }
0x56: {  	_ =	shalt  }
0x57: {  	_ =	shalt  }
0x58: {  	_ =	shalt  }
0x59: {  	_ =	shalt  }
0x5a: {  	_ =	shalt  }
0x5b: {  	_ =	shalt  }
0x5c: {  	_ =	shalt  }
0x5d: {  	_ =	shalt  }
0x5e: {  	_ =	shalt  }
0x5f: {  	_ =	shalt  }
0x60: {  	_ =	shalt  }
0x61: {  	_ =	shalt  }
0x62: {  	_ =	shalt  }
0x63: {  	_ =	shalt  }
0x64: {  	_ =	shalt  }
0x65: {  	_ =	shalt  }
0x66: {  	_ =	shalt  }
0x67: {  	_ =	shalt  }
0x68: {  	_ =	shalt  }
0x69: {  	_ =	shalt  }
0x6a: {  	_ =	shalt  }
0x6b: {  	_ =	shalt  }
0x6c: {  	_ =	shalt  }
0x6d: {  	_ =	shalt  }
0x6e: {  	_ =	shalt  }
0x6f: {  	_ =	shalt  }
0x70: {  	_ =	shalt  }
0x71: {  	_ =	shalt  }
0x72: {  	_ =	shalt  }
0x73: {  	_ =	shalt  }
0x74: {  	_ =	shalt  }
0x75: {  	_ =	shalt  }
0x76: {  	_ =	shalt  }
0x77: {  	_ =	shalt  }
0x78: {  	_ =	shalt  }
0x79: {  	_ =	shalt  }
0x7a: {  	_ =	shalt  }
0x7b: {  	_ =	shalt  }
0x7c: {  	_ =	shalt  }
0x7d: {  	_ =	shalt  }
0x7e: {  	_ =	shalt  }
0x7f: {  	_ =	shalt  }
0x80: {  	_ =	shalt  }
0x81: {  	_ =	shalt  }
0x82: {  	_ =	shalt  }
0x83: {  	_ =	shalt  }
0x84: {  	_ =	shalt  }
0x85: {  	_ =	shalt  }
0x86: {  	_ =	shalt  }
0x87: {  	_ =	shalt  }
.Lfunc_end0:
.L_simem_size_0:
called_computation.1_lowered:
.L_overlay_start_0:
0x88: {  	s2 =	sld [smem:$0x3FD9]  }
0x89: {  	s3 =	sld [smem:$0x3FFE];
	_ =	sdelay $0x1  }
0x8a: {  	s1 =	srdreg.scid  }
0x8b: {  	s0 =	sand.u32 $0x1, s1  }
0x8c: {  	s16 =	sshll.u32 s0, $0xA;
	s2 =	sadd.s32 s3, s2  }
0x8d: {  	s2 =	sadd.s32 s2, s16  }
0x8e: {  	[smem:$0x3FC4] =	sst s2  }
0x8f: {  	_ = 	snop  }
0x90: {  	(tm) =	ssettm $0x1  }
0x91: {  	s17 =	sld [smem:$0x3FFB];
	_ =	sdelay $0x3  }
0x92: {  	_ =	strace s17  }
0x93: {  	s2 =	sld [smem:$0x3FFC];
	_ =	sdelay $0x3  }
0x94: {  	_ =	strace s2  }
0x95: {  	s2 =	sld [smem:$0x3FFD];
	_ =	sdelay $0x3  }
0x96: {  	_ =	strace s2  }
0x97: {  	_ =	strace $0x8FFFFFFF  }
0x98: {  	s18 =	sld [smem:$0x3FDB];
	_ =	sdelay $0x1  }
0x99: {  	s19 =	simm.s32 $_scs_section_size  }
0x9a: {  	s4 =	simm.s32 $_size__tile_overlayer_lowered;
	s5 =	simm.s32 $_tile_overlayer_lowered  }
0x9b: {  	s22 =	simm.s32 $0x1BFF;
	s21 =	sshll.u32 s5, $0x1;
	s2 =	sadd.s32 s19, s18  }
0x9c: {  	s6 =	simm.s32 $0x0;
	s20 =	sshll.u32 s4, $0x1;
	s4 =	sadd.s32 s21, s2  }
0x9d: {  	[timem:s6], [sflag:s22] =	dma.local [hbm:s4], s20  }
0x9e: {  	_ =	swait.ge [sflag:s22], s20  }
0x9f: {  	s3 =	ssub.s32 $0x0, s20;
	[sflag:s22] =	ssyncset.done $0x0  }
0xa0: {  	[sflag:s22] =	ssyncadd.s32 s3;
	_ =	sdelay $0x1  }
0xa1: {  	s23 =	simm.s32 $0x1B8B  }
0xa2: {  	_ =	swait.ge [sflag:s23], $0x1  }
0xa3: {  	[sflag:s23] =	ssyncset.done $0x0  }
0xa4: {  	s25 =	simm.s32 $0x1B8E;
	s24 =	sld [smem:$0x3FFE];
	[sflag:s23] =	ssyncadd.s32 $0xFFFFFFFF  }
0xa5: {  	s26 =	simm.s32 $execute0_lowered;
	[smem:$0x3FD2] =	sst s25  }
0xa6: {  	s4 =	sshll.u32 s26, $0x1;
	_ =	strace $0x80000049;
	[dreg:$0x1] =	wrdreg $0xFFFFFFFF  }
0xa7: {  	s28 =	simm.s32 $_size_execute0_lowered;
	s2 =	sadd.s32 s2, s4;
	[dreg:$0x0] =	wrdreg $0x0  }
0xa8: {  	s4 =	sshll.u32 s28, $0x1;
	[dreg:$0x2] =	wrdreg s2  }
0xa9: {  	[dreg:$0x3] =	wrdreg s4  }
0xaa: {  	[dreg:$0x4] =	wrdreg $0xC0  }
0xab: {  	_ =	task [dreg:s6], $0x5FFFF  }
0xac: {  	[dreg:$0x1] =	wrdreg $0xFFFFFFFF  }
0xad: {  	[dreg:$0x0] =	wrdreg $0x60  }
0xae: {  	[dreg:$0x2] =	wrdreg s24  }
0xaf: {  	[dreg:$0x3] =	wrdreg $0x82000  }
0xb0: {  	[dreg:$0x4] =	wrdreg $0x9  }
0xb1: {  	_ =	task.clear_ibuf [dreg:s6], $0x5FFFF;
	_ =	strace $0x90000049  }
0xb2: {  	s29 =	simm.s32 $0x9;
	_ =	strace $0x8000004B  }
0xb3: {  	_ =	swait.ge [sflag:s29], $0x1  }
0xb4: {  	[sflag:s29] =	ssyncadd.s32 $0xFFFFFFFF  }
0xb5: {  	_ =	strace $0x9000004B  }
0xb6: {  	_ =	sfence  }
0xb7: {  	s30 =	sld [smem:$0x0];
	_ =	sdelay $0x2  }
0xb8: {  	s31 =	sshll.u32 s1, $0xD;
	s1 =	sshrl.u32 s1, $0x2  }
0xb9: {  	s3 =	sand.u32 $0x4000, s31;
	s1 =	sadd.s32 s1, s30  }
0xba: {  	s0 =	sor.u32 s3, s0;
	s1 =	sshll.u32 s1, $0x11  }
0xbb: {  	s0 =	sor.u32 s1, s0  }
0xbc: {  	s0 =	sadd.s32 $0x8F2B, s0  }
0xbd: {  	[sflag:s0] =	ssyncadd.remote.s32 $0x1  }
0xbe: {  	_ =	sfence.sel $0xFFFF  }
0xbf: {  	[dreg:$0x0] =	wrdreg $0xFFFFFFFF;
	(pc) =	sbr.abs _section_cstart, $3  }
0xc0: {  	[dreg:$0x1] =	wrdreg $0xFFFFFFFF  }
0xc1: {  	_ =	task.clear_ibuf [dreg:s6], $0x2FFFF;
	_ =	strace $0x9FFFFFFF  }
0xc2: {  	(tm) =	ssettm $0x7FFFFFFF  }
0xc3: {  	_ =	shalt  }
tec
execute0_lowered:
.L_overlay_start_1:
0x0: {  	(tag) =	ssettag $0x1  }
0x1: {  	s0 =	rddreg [dreg:$0x0]  }
0x2: {  	s2 =	rddreg [dreg:$0x1];
	s3 =	simm.s32 $0x0  }
0x3: {  	s10 =	stileid.u32;
	s1 =	srdreg.scid;
	s28 =	simm.s32 $0x5  }
0x4: {  	s29 =	simm.s32 $0x2;
	s30 =	simm.s32 $0x4200;
	s31 =	simm.s32 $0x4  }
0x5: {  	[smem:$0x7FF] =	sst s3;
	s5 =	smul.u32 $0x2780, s10;
	s1 =	sand.u32 $0x1, s1  }
0x6: {  	s18 =	sadd.s32 $0x1200, s0;
	s19 =	sadd.s32 $0x581E00, s0;
	s7 =	smul.u32 $0x4F000, s10  }
0x7: {  	s4 =	sadd.s32 $0x58C000, s0;
	s16 =	sshll.u32 s10, $0x6;
	s20 =	sshll.u32 s10, $0x5  }
0x8: {  	_ =	strace $0x8000004A;
	s6 =	smul.u32 $0x27800, s1;
	s9 =	ssub.s32 $0x2, s1  }
0x9: {  	s1 =	sshll.u32 s1, $0x4;
	s25 =	sadd.s32 s20, s18;
	s8 =	sadd.s32 s5, s0  }
0xa: {  	s26 =	sshrl.u32 s9, $0x1;
	s7 =	sshrl.u32 s7, $0x2;
	s21 =	sor.u32 s1, s20  }
0xb: {  	s5 =	sadd.s32 s5, s6;
	s9 =	ssub.s32 s9, s26;
	s15 =	sadd.s32 s7, s2  }
0xc: {  	s17 =	sadd.s32 $0xB400, s8;
	s7 =	sor.u32 $0x1C07, s16;
	s22 =	sadd.s32 s18, s21  }
0xd: {  	s23 =	sadd.s32 s19, s21;
	s11 =	sor.u32 $0x200, s21;
	[dreg:$0x3] =	wrdreg s15  }
0xe: {  	s13 =	sor.u32 $0x400, s21;
	s6 =	sor.u32 $0x9E00, s21;
	[dreg:$0x4] =	wrdreg s17  }
0xf: {  	s26 =	sadd.s32 s20, s19;
	s20 =	simm.s32 $0x7;
	[dreg:$0x5] =	wrdreg s22  }
0x10: {  	s21 =	simm.s32 $0x100;
	s0 =	sadd.s32 s5, s0;
	[dreg:$0x6] =	wrdreg s23  }
0x11: {  	s24 =	sadd.s32 s18, s11;
	s11 =	sadd.s32 s19, s11;
	s12 =	sadd.s32 s18, s13  }
0x12: {  	s13 =	sadd.s32 s19, s13;
	s14 =	sadd.s32 s18, s6;
	s15 =	sadd.s32 s19, s6  }
0x13: {  	s17 =	smax.u32 s9, $0x1;
	s18 =	sadd.s32 s1, s25;
	s19 =	sadd.s32 s1, s26  }
0x14: {  	s22 =	simm.s32 $0x80;
	s23 =	simm.s32 $0x180;
	s25 =	simm.s32 $0x200  }
0x15: {  	s26 =	simm.s32 $0x3;
	s1 =	simm.s32 $0x0;
	[dreg:$0x7] =	wrdreg s24  }
0x16: {  	s16 =	sadd.s32 $0x32C00, s0;
	s24 =	simm.s32 $0x1;
	s0 =	simm.s32 $0x6  }
.LBB2_1:
0x17: {  	s5 =	rddreg [dreg:$0x3]  }
0x18: {  	s6 =	rddreg [dreg:$0x4];
	s5 =	sshrl.u32 s5, $0x3  }
0x19: {  	[spmem:s5], [sflag:s7] =	dma.local [hbm:s6], $0x2780  }
0x1a: {  	_ =	swait.ge [sflag:s20], $0x2780  }
0x1b: {  	[sflag:s20] =	ssyncset.done $0x0  }
0x1c: {  	[sflag:s20] =	ssyncadd.s32 $0xFFFFD880  }
0x1d: {  	[bflag:$0x0] =	sbarrier.arrive $0xFFFF  }
0x1e: {  	s10 =	rddreg [dreg:$0x5]  }
0x1f: {  	[tilespmem:s3], [sflag:$0x1] =	stream.linear.gather [hbm4b:s10+s3], $0x80, $0x38;
	[tilespmem:$0x1BE00] =	vst v63  }
0x20: {  	s8 =	rddreg [dreg:$0x6]  }
0x21: {  	[tilespmem:s21], [sflag:$0x1] =	stream.linear.gather [hbm4b:s8+s3], $0x80, $0x38;
	[tilespmem:$0x1BE00] =	vst v63  }
0x22: {  	s9 =	rddreg [dreg:$0x7]  }
0x23: {  	[tilespmem:s22], [sflag:$0x2] =	stream.linear.gather [hbm4b:s9+s3], $0x80, $0x38;
	[tilespmem:$0x1BE00] =	vst v63  }
0x24: {  	_ = 	snop  }
0x25: {  	[tilespmem:s23], [sflag:$0x2] =	stream.linear.gather [hbm4b:s11+s3], $0x80, $0x38;
	[tilespmem:$0x1BE00] =	vst v63  }
0x26: {  	_ =	swait.ge [sflag:s24], $0x80  }
0x27: {  	[sflag:s24] =	ssyncset.done $0x0  }
0x28: {  	[sflag:s24] =	ssyncadd.s32 $0xFFFFFF80  }
0x29: {  	_ =	swait.ge [sflag:s24], $0x80  }
0x2a: {  	[sflag:s24] =	ssyncset.done $0x0  }
0x2b: {  	[sflag:s24] =	ssyncadd.s32 $0xFFFFFF80  }
0x2c: {  	[tilespmem:s25], [sflag:$0x3] =	stream.indirect.gather [hbm4b:s4+s22], $0x80, s3, s22, $0xb8;
	[tilespmem:$0x1BE00] =	vst v63  }
0x2d: {  	_ =	swait.ge [sflag:s26], $0x4000  }
0x2e: {  	[sflag:s26] =	ssyncset.done $0x0  }
0x2f: {  	[sflag:s26] =	ssyncadd.s32 $0xFFFFC000  }
0x30: {  	[spmem:s2] =	stream.indirect.scatter.add.f32 [tilespmem:s25], [sflag:$0x5], $0x80, s21, s22, $0xb8;
	[tilespmem:$0x1BE00] =	vst v63  }
0x31: {  	_ =	swait.ge [sflag:s28], $0x4000  }
0x32: {  	[sflag:s28] =	ssyncset.done $0x0  }
0x33: {  	[sflag:s28] =	ssyncadd.s32 $0xFFFFC000  }
0x34: {  	[tilespmem:s3], [sflag:$0x1] =	stream.linear.gather [hbm4b:s12+s3], $0x80, $0x38;
	[tilespmem:$0x1BE00] =	vst v63  }
0x35: {  	_ = 	snop  }
0x36: {  	[tilespmem:s21], [sflag:$0x1] =	stream.linear.gather [hbm4b:s13+s3], $0x80, $0x38;
	[tilespmem:$0x1BE00] =	vst v63  }
0x37: {  	_ =	swait.ge [sflag:s29], $0x80  }
0x38: {  	[sflag:s29] =	ssyncset.done $0x0  }
0x39: {  	[sflag:s29] =	ssyncadd.s32 $0xFFFFFF80  }
0x3a: {  	_ =	swait.ge [sflag:s29], $0x80  }
0x3b: {  	[sflag:s29] =	ssyncset.done $0x0  }
0x3c: {  	[sflag:s29] =	ssyncadd.s32 $0xFFFFFF80  }
0x3d: {  	[tilespmem:s30], [sflag:$0x4] =	stream.indirect.gather [hbm4b:s4+s22], $0x80, s22, s22, $0xb8;
	[tilespmem:$0x1BE00] =	vst v63  }
0x3e: {  	_ =	swait.ge [sflag:s31], $0x4000  }
0x3f: {  	[sflag:s31] =	ssyncset.done $0x0  }
0x40: {  	[sflag:s31] =	ssyncadd.s32 $0xFFFFC000  }
0x41: {  	[spmem:s2] =	stream.indirect.scatter.add.f32 [tilespmem:s30], [sflag:$0x6], $0x80, s23, s22, $0xb8;
	[tilespmem:$0x1BE00] =	vst v63  }
0x42: {  	_ =	swait.ge [sflag:s0], $0x4000  }
0x43: {  	s6 =	sadd.s32 $0x0, s18;
	[sflag:s0] =	ssyncset.done $0x0  }
0x44: {  	s8 =	sadd.s32 $0x600, s6;
	s9 =	sadd.s32 $0x0, s19;
	[sflag:s0] =	ssyncadd.s32 $0xFFFFC000  }
0x45: {  	[tilespmem:s22], [sflag:$0x2] =	stream.linear.gather [hbm4b:s8+s3], $0x80, $0x38;
	[tilespmem:$0x1BE00] =	vst v63  }
0x46: {  	s10 =	sadd.s32 $0x600, s9  }
0x47: {  	[tilespmem:s23], [sflag:$0x2] =	stream.linear.gather [hbm4b:s10+s3], $0x80, $0x38;
	[tilespmem:$0x1BE00] =	vst v63  }
0x48: {  	_ =	swait.ge [sflag:s24], $0x80  }
0x49: {  	[sflag:s24] =	ssyncset.done $0x0  }
0x4a: {  	[sflag:s24] =	ssyncadd.s32 $0xFFFFFF80  }
0x4b: {  	_ =	swait.ge [sflag:s24], $0x80  }
0x4c: {  	[sflag:s24] =	ssyncset.done $0x0  }
0x4d: {  	[sflag:s24] =	ssyncadd.s32 $0xFFFFFF80  }
0x4e: {  	[tilespmem:s25], [sflag:$0x3] =	stream.indirect.gather [hbm4b:s4+s22], $0x80, s3, s22, $0xb8;
	[tilespmem:$0x1BE00] =	vst v63  }
0x4f: {  	_ =	swait.ge [sflag:s26], $0x4000  }
0x50: {  	[sflag:s26] =	ssyncset.done $0x0  }
0x51: {  	[sflag:s26] =	ssyncadd.s32 $0xFFFFC000  }
0x52: {  	[spmem:s2] =	stream.indirect.scatter.add.f32 [tilespmem:s25], [sflag:$0x5], $0x80, s21, s22, $0xb8;
	[tilespmem:$0x1BE00] =	vst v63  }
0x53: {  	_ =	swait.ge [sflag:s28], $0x4000  }
0x54: {  	[sflag:s28] =	ssyncset.done $0x0  }
0x55: {  	s6 =	sadd.s32 $0x800, s6;
	[sflag:s28] =	ssyncadd.s32 $0xFFFFC000  }
0x56: {  	[tilespmem:s3], [sflag:$0x1] =	stream.linear.gather [hbm4b:s6+s3], $0x80, $0x38;
	[tilespmem:$0x1BE00] =	vst v63  }
0x57: {  	s10 =	sadd.s32 $0x800, s9  }
0x58: {  	[tilespmem:s21], [sflag:$0x1] =	stream.linear.gather [hbm4b:s10+s3], $0x80, $0x38;
	[tilespmem:$0x1BE00] =	vst v63  }
0x59: {  	_ =	swait.ge [sflag:s29], $0x80  }
0x5a: {  	[sflag:s29] =	ssyncset.done $0x0  }
0x5b: {  	[sflag:s29] =	ssyncadd.s32 $0xFFFFFF80  }
0x5c: {  	_ =	swait.ge [sflag:s29], $0x80  }
0x5d: {  	[sflag:s29] =	ssyncset.done $0x0  }
0x5e: {  	[sflag:s29] =	ssyncadd.s32 $0xFFFFFF80  }
0x5f: {  	[tilespmem:s30], [sflag:$0x4] =	stream.indirect.gather [hbm4b:s4+s22], $0x80, s22, s22, $0xb8;
	[tilespmem:$0x1BE00] =	vst v63  }
0x60: {  	_ =	swait.ge [sflag:s31], $0x4000  }
0x61: {  	[sflag:s31] =	ssyncset.done $0x0  }
0x62: {  	s6 =	simm.s32 $0x400;
	[sflag:s31] =	ssyncadd.s32 $0xFFFFC000  }
.LBB2_2:
0x63: {  	[spmem:s2] =	stream.indirect.scatter.add.f32 [tilespmem:s30], [sflag:$0x6], $0x80, s23, s22, $0xb8;
	[tilespmem:$0x1BE00] =	vst v63  }
0x64: {  	s8 =	smov.u32 s6  }
0x65: {  	p0 =	sne.s32 s6, $0x9400;
	s6 =	sadd.s32 $0x400, s6;
	_ =	swait.ge [sflag:s0], $0x4000  }
0x66: {  	s9 =	sadd.s32 s8, s18;
	[sflag:s0] =	ssyncset.done $0x0  }
0x67: {  	s8 =	sadd.s32 s8, s19;
	s10 =	sadd.s32 $0x600, s9;
	[sflag:s0] =	ssyncadd.s32 $0xFFFFC000  }
0x68: {  	[tilespmem:s22], [sflag:$0x2] =	stream.linear.gather [hbm4b:s10+s3], $0x80, $0x38;
	[tilespmem:$0x1BE00] =	vst v63  }
0x69: {  	s10 =	sadd.s32 $0x600, s8  }
0x6a: {  	[tilespmem:s23], [sflag:$0x2] =	stream.linear.gather [hbm4b:s10+s3], $0x80, $0x38;
	[tilespmem:$0x1BE00] =	vst v63  }
0x6b: {  	_ =	swait.ge [sflag:s24], $0x80  }
0x6c: {  	[sflag:s24] =	ssyncset.done $0x0  }
0x6d: {  	[sflag:s24] =	ssyncadd.s32 $0xFFFFFF80  }
0x6e: {  	_ =	swait.ge [sflag:s24], $0x80  }
0x6f: {  	[sflag:s24] =	ssyncset.done $0x0  }
0x70: {  	[sflag:s24] =	ssyncadd.s32 $0xFFFFFF80  }
0x71: {  	[tilespmem:s25], [sflag:$0x3] =	stream.indirect.gather [hbm4b:s4+s22], $0x80, s3, s22, $0xb8;
	[tilespmem:$0x1BE00] =	vst v63  }
0x72: {  	_ =	swait.ge [sflag:s26], $0x4000  }
0x73: {  	[sflag:s26] =	ssyncset.done $0x0  }
0x74: {  	[sflag:s26] =	ssyncadd.s32 $0xFFFFC000  }
0x75: {  	[spmem:s2] =	stream.indirect.scatter.add.f32 [tilespmem:s25], [sflag:$0x5], $0x80, s21, s22, $0xb8;
	[tilespmem:$0x1BE00] =	vst v63  }
0x76: {  	_ =	swait.ge [sflag:s28], $0x4000  }
0x77: {  	[sflag:s28] =	ssyncset.done $0x0  }
0x78: {  	s9 =	sadd.s32 $0x800, s9;
	[sflag:s28] =	ssyncadd.s32 $0xFFFFC000  }
0x79: {  	[tilespmem:s3], [sflag:$0x1] =	stream.linear.gather [hbm4b:s9+s3], $0x80, $0x38;
	[tilespmem:$0x1BE00] =	vst v63  }
0x7a: {  	s8 =	sadd.s32 $0x800, s8  }
0x7b: {  	[tilespmem:s21], [sflag:$0x1] =	stream.linear.gather [hbm4b:s8+s3], $0x80, $0x38;
	[tilespmem:$0x1BE00] =	vst v63  }
0x7c: {  	_ =	swait.ge [sflag:s29], $0x80  }
0x7d: {  	[sflag:s29] =	ssyncset.done $0x0  }
0x7e: {  	[sflag:s29] =	ssyncadd.s32 $0xFFFFFF80  }
0x7f: {  	_ =	swait.ge [sflag:s29], $0x80  }
0x80: {  	[sflag:s29] =	ssyncset.done $0x0  }
.Ltmp0:
0x81: {  	[sflag:s29] =	ssyncadd.s32 $0xFFFFFF80;
	(pc) =	sbr.rel @p0 .LBB2_2-.Ltmp0, $4  }
0x82: {  	[tilespmem:s30], [sflag:$0x4] =	stream.indirect.gather [hbm4b:s4+s22], $0x80, s22, s22, $0xb8;
	[tilespmem:$0x1BE00] =	vst v63  }
0x83: {  	_ =	swait.ge [sflag:s31], $0x4000  }
0x84: {  	[sflag:s31] =	ssyncset.done $0x0  }
0x85: {  	[sflag:s31] =	ssyncadd.s32 $0xFFFFC000  }
0x86: {  	[spmem:s2] =	stream.indirect.scatter.add.f32 [tilespmem:s30], [sflag:$0x6], $0x80, s23, s22, $0xb8;
	[tilespmem:$0x1BE00] =	vst v63  }
0x87: {  	_ =	swait.ge [sflag:s0], $0x4000  }
0x88: {  	[sflag:s0] =	ssyncset.done $0x0  }
0x89: {  	[sflag:s0] =	ssyncadd.s32 $0xFFFFC000  }
0x8a: {  	[tilespmem:s22], [sflag:$0x2] =	stream.linear.gather [hbm4b:s14+s3], $0x80, $0x38;
	[tilespmem:$0x1BE00] =	vst v63  }
0x8b: {  	_ = 	snop  }
0x8c: {  	[tilespmem:s23], [sflag:$0x2] =	stream.linear.gather [hbm4b:s15+s3], $0x80, $0x38;
	[tilespmem:$0x1BE00] =	vst v63  }
0x8d: {  	_ =	swait.ge [sflag:s24], $0x80  }
0x8e: {  	[sflag:s24] =	ssyncset.done $0x0  }
0x8f: {  	[sflag:s24] =	ssyncadd.s32 $0xFFFFFF80  }
0x90: {  	_ =	swait.ge [sflag:s24], $0x80  }
0x91: {  	[sflag:s24] =	ssyncset.done $0x0  }
0x92: {  	[sflag:s24] =	ssyncadd.s32 $0xFFFFFF80  }
0x93: {  	[tilespmem:s25], [sflag:$0x3] =	stream.indirect.gather [hbm4b:s4+s22], $0x80, s3, s22, $0xb8;
	[tilespmem:$0x1BE00] =	vst v63  }
0x94: {  	_ =	swait.ge [sflag:s26], $0x4000  }
0x95: {  	[sflag:s26] =	ssyncset.done $0x0  }
0x96: {  	[sflag:s26] =	ssyncadd.s32 $0xFFFFC000  }
0x97: {  	[spmem:s2] =	stream.indirect.scatter.add.f32 [tilespmem:s25], [sflag:$0x5], $0x80, s21, s22, $0xb8;
	[tilespmem:$0x1BE00] =	vst v63  }
0x98: {  	_ =	swait.ge [sflag:s28], $0x4000  }
0x99: {  	[sflag:s28] =	ssyncset.done $0x0  }
0x9a: {  	[sflag:s28] =	ssyncadd.s32 $0xFFFFC000  }
0x9b: {  	_ =	swait.ge [sflag:s29], $0x80  }
0x9c: {  	[sflag:s29] =	ssyncset.done $0x0  }
0x9d: {  	[sflag:s29] =	ssyncadd.s32 $0xFFFFFF80  }
0x9e: {  	_ =	swait.ge [sflag:s29], $0x80  }
0x9f: {  	[sflag:s29] =	ssyncset.done $0x0  }
0xa0: {  	[sflag:s29] =	ssyncadd.s32 $0xFFFFFF80  }
0xa1: {  	[tilespmem:s30], [sflag:$0x4] =	stream.indirect.gather [hbm4b:s4+s22], $0x80, s22, s22, $0xb8;
	[tilespmem:$0x1BE00] =	vst v63  }
0xa2: {  	_ =	swait.ge [sflag:s31], $0x4000  }
0xa3: {  	[sflag:s31] =	ssyncset.done $0x0  }
0xa4: {  	[sflag:s31] =	ssyncadd.s32 $0xFFFFC000  }
0xa5: {  	[spmem:s2] =	stream.indirect.scatter.add.f32 [tilespmem:s30], [sflag:$0x6], $0x80, s23, s22, $0xb8;
	[tilespmem:$0x1BE00] =	vst v63  }
0xa6: {  	_ =	swait.ge [sflag:s0], $0x4000  }
0xa7: {  	s1 =	sadd.s32 $0x1, s1;
	[sflag:s0] =	ssyncset.done $0x0  }
0xa8: {  	p0 =	sne.s32 s1, s17;
	[sflag:s0] =	ssyncadd.s32 $0xFFFFC000  }
.Ltmp1:
0xa9: {  	[bflag:$0x0] =	sbarrier.arrive $0xFFFF;
	(pc) =	sbr.rel @p0 .LBB2_1-.Ltmp1, $4  }
0xaa: {  	[hbm:s16], [sflag:s7] =	dma.local [spmem:s5], $0x2780  }
0xab: {  	_ =	swait.ge [sflag:s20], $0x2780  }
0xac: {  	[sflag:s20] =	ssyncset.done $0x0  }
0xad: {  	[sflag:s20] =	ssyncadd.s32 $0xFFFFD880  }
0xae: {  	_ =	sfence.sel $0x180000  }
0xaf: {  	[bflag:$0x0] =	sbarrier.arrive $0xFFFF  }
0xb0: {  	_ =	strace $0x9000004A  }
0xb1: {  	s0 =	stileid.u32;
	[bflag:$0x2] =	sbarrier.arrive $0xFFFF  }
0xb2: {  	p0 =	sne.s32 s0, $0x0;
	s0 =	rddreg [dreg:$0x2]  }
0xb3: {  	s0 =	sadd.s32 @!p0 $0x100000, s0  }
0xb4: {  	[sflag:s0] =	ssyncadd.tile.s32 @!p0 $0x1;
	_ =	shalt  }
.Lfunc_end2:
_tile_overlayer_lowered:
.L_overlay_start_2:
0xb5: {  	(tag) =	ssettag $0x2  }
0xb6: {  	s0 =	rddreg [dreg:$0x0];
	s2 =	stileid.u32  }
0xb7: {  	s1 =	rddreg [dreg:$0x1];
	p0 =	sne.s32 s2, $0x0  }
0xb8: {  	s3 =	rddreg [dreg:$0x2];
	[bflag:$0x3] =	sbarrier.arrive $0xFFFF;
	s2 =	simm.s32 @!p0 $0x1C07  }
0xb9: {  	[timem:s3], [sflag:s2] =	dma.local @!p0 [hbm:s0], s1  }
0xba: {  	s0 =	simm.s32 @!p0 $0x7  }
0xbb: {  	_ =	swait.ge @!p0 [sflag:s0], s1  }
0xbc: {  	s1 =	ssub.s32 @!p0 $0x0, s1;
	[sflag:s0] =	ssyncset.done @!p0 $0x0  }
0xbd: {  	[sflag:s0] =	ssyncadd.s32 @!p0 s1  }
0xbe: {  	[bflag:$0x3] =	sbarrier.arrive $0xFFFF  }
0xbf: {  	_ =	shalt  }

// kernel: kernel.8.cloned.1.call-start
scs
__scs_entry_jumppad:
0x0: {  	(pc) =	sbr.rel $0x88, $3  }
0x1: {  	(tag) =	ssettag $0x0;
	lr =	simm.s32 $0x1  }
0x2: {  	[smem:$0x3F9D] =	sst lr;
	_ =	strace $0xD0000000  }
0x3: {  	_ = 	snop  }
0x4: {  	_ = 	snop  }
0x5: {  	_ = 	snop  }
0x6: {  	_ = 	snop  }
0x7: {  	_ = 	snop  }
__scs_overlays_trampoline_lowered:
0x8: {  	[smem:$0x3FAC] =	sst s0  }
0x9: {  	[smem:$0x3FAD] =	sst s1  }
0xa: {  	[smem:$0x3FAE] =	sst s2  }
0xb: {  	[smem:$0x3FAF] =	sst s3  }
0xc: {  	[smem:$0x3FB0] =	sst s4  }
0xd: {  	[smem:$0x3FB1] =	sst s5  }
0xe: {  	[smem:$0x3FB2] =	sst s6  }
0xf: {  	[smem:$0x3FB3] =	sst s7  }
0x10: {  	[smem:$0x3FB4] =	sst s8  }
0x11: {  	[smem:$0x3FB5] =	sst s9;
	s0 =	simm.s32 @!p0 $0x0  }
0x12: {  	s1 =	sld [smem:$0x3F9B];
	s0 =	simm.s32 @p0 $0x1  }
0x13: {  	[smem:$0x3FB6] =	sst s0;
	s0 =	simm.s32 @!p1 $0x0  }
0x14: {  	s2 =	sld [smem:$0x3F9A];
	s0 =	simm.s32 @p1 $0x1  }
0x15: {  	[smem:$0x3FB7] =	sst s0;
	s0 =	simm.s32 @!p2 $0x0  }
0x16: {  	s3 =	sld [smem:$0x3FDB];
	s0 =	simm.s32 @p2 $0x1  }
0x17: {  	s4 =	simm.s32 $0x1BF5;
	[smem:$0x3FB9] =	sst s0  }
0x18: {  	s0 =	sld [smem:$0x3F9C];
	_ =	swait.ge [sflag:s4], $0x0  }
0x19: {  	s7 =	sld [smem:$0x3F9D]  }
0x1a: {  	s8 =	sadd.s32 $0xFFFFE003, lr  }
0x1b: {  	s9 =	sadd.s32 $0xFFFFFEF7, lr;
	s5 =	simm.s32 $0xFFFFFFFF;
	p2 =	slt.u32 s8, $0xFFFFF086  }
0x1c: {  	p1 =	slt.u32 s9, $0xF7A;
	s5 =	simm.s32 @!p2 $0x0  }
0x1d: {  	s5 =	simm.s32 @p1 $0x1;
	p0 =	seq.s32 s7, s2  }
0x1e: {  	s7 =	smul.u32 @!p0 $0xF7A, s2;
	p2 =	seq.s32 @!p0 s5, $0x0  }
0x1f: {  	s9 =	smul.u32 $0xF7A, s1;
	s8 =	simm.s32 @!p0 $0x1BF5;
	p2 =	por !p2, p0  }
0x20: {  	[sflag:s8] =	ssyncset.s32 @!p0 $0xFFFFF086;
	s6 =	sadd.s32 @!p0 s3, s7;
	s7 =	simm.s32 @!p0 $0x108  }
0x21: {  	s3 =	sadd.s32 s3, s9;
	s6 =	sadd.s32 @!p0 $0x88, s6;
	s7 =	simm.s32 @p2 $0x1082  }
0x22: {  	[simem:s7], [sflag:s8] =	dma.local @!p0 [hbm:s6], $0xF7A  }
0x23: {  	s9 =	sor.u32 $0xD0000000, s2;
	s6 =	simm.s32 $0x108;
	_ =	swait.ge @!p0 [sflag:s8], $0x0  }
0x24: {  	s3 =	sadd.s32 $0x88, s3;
	s6 =	simm.s32 @!p1 $0x1082;
	[sflag:s4] =	ssyncset.s32 $0xFFFFF086  }
0x25: {  	[simem:s6], [sflag:s4] =	dma.local [hbm:s3], $0xF7A  }
0x26: {  	[smem:$0x3F9D] =	sst s1;
	(tag) =	ssettag s2;
	_ =	strace s9  }
0x27: {  	s1 =	sld [smem:$0x3FAD]  }
0x28: {  	s2 =	sld [smem:$0x3FAE]  }
0x29: {  	s4 =	sld [smem:$0x3FB0]  }
0x2a: {  	p0 =	seq.s32 s5, $0x0;
	s5 =	sld [smem:$0x3FB1]  }
0x2b: {  	s6 =	sld [smem:$0x3FB2]  }
0x2c: {  	s7 =	sld [smem:$0x3FB3]  }
0x2d: {  	s3 =	simm.s32 $0x108;
	s8 =	sld [smem:$0x3FB4]  }
0x2e: {  	s3 =	simm.s32 @!p0 $0x1082;
	s9 =	sld [smem:$0x3FB5]  }
0x2f: {  	lr =	sadd.s32 s0, s3;
	s0 =	sld [smem:$0x3FAC]  }
0x30: {  	s3 =	sld [smem:$0x3FAF]  }
0x31: {  	[smem:$0x3FB8] =	sst s10  }
0x32: {  	s10 =	sld [smem:$0x3FB6];
	_ =	sdelay $0x3  }
0x33: {  	p0 =	seq.s32 s10, $0x1;
	s10 =	sld [smem:$0x3FB8];
	_ =	sdelay $0x3  }
0x34: {  	[smem:$0x3FB8] =	sst s10  }
0x35: {  	s10 =	sld [smem:$0x3FB7];
	_ =	sdelay $0x3  }
0x36: {  	p1 =	seq.s32 s10, $0x1;
	s10 =	sld [smem:$0x3FB8];
	_ =	sdelay $0x3  }
0x37: {  	[smem:$0x3FB8] =	sst s10  }
0x38: {  	s10 =	sld [smem:$0x3FB9]  }
0x39: {  	_ = 	snop;
	(pc) =	sbr.ind lr, $3  }
0x3a: {  	_ = 	snop  }
0x3b: {  	_ = 	snop  }
0x3c: {  	p2 =	seq.s32 s10, $0x1;
	s10 =	sld [smem:$0x3FB8]  }
0x3d: {  	_ =	shalt  }
0x3e: {  	_ =	shalt  }
0x3f: {  	_ =	shalt  }
0x40: {  	_ =	shalt  }
0x41: {  	_ =	shalt  }
0x42: {  	_ =	shalt  }
0x43: {  	_ =	shalt  }
0x44: {  	_ =	shalt  }
0x45: {  	_ =	shalt  }
0x46: {  	_ =	shalt  }
0x47: {  	_ =	shalt  }
0x48: {  	_ =	shalt  }
0x49: {  	_ =	shalt  }
0x4a: {  	_ =	shalt  }
0x4b: {  	_ =	shalt  }
0x4c: {  	_ =	shalt  }
0x4d: {  	_ =	shalt  }
0x4e: {  	_ =	shalt  }
0x4f: {  	_ =	shalt  }
0x50: {  	_ =	shalt  }
0x51: {  	_ =	shalt  }
0x52: {  	_ =	shalt  }
0x53: {  	_ =	shalt  }
0x54: {  	_ =	shalt  }
0x55: {  	_ =	shalt  }
0x56: {  	_ =	shalt  }
0x57: {  	_ =	shalt  }
0x58: {  	_ =	shalt  }
0x59: {  	_ =	shalt  }
0x5a: {  	_ =	shalt  }
0x5b: {  	_ =	shalt  }
0x5c: {  	_ =	shalt  }
0x5d: {  	_ =	shalt  }
0x5e: {  	_ =	shalt  }
0x5f: {  	_ =	shalt  }
0x60: {  	_ =	shalt  }
0x61: {  	_ =	shalt  }
0x62: {  	_ =	shalt  }
0x63: {  	_ =	shalt  }
0x64: {  	_ =	shalt  }
0x65: {  	_ =	shalt  }
0x66: {  	_ =	shalt  }
0x67: {  	_ =	shalt  }
0x68: {  	_ =	shalt  }
0x69: {  	_ =	shalt  }
0x6a: {  	_ =	shalt  }
0x6b: {  	_ =	shalt  }
0x6c: {  	_ =	shalt  }
0x6d: {  	_ =	shalt  }
0x6e: {  	_ =	shalt  }
0x6f: {  	_ =	shalt  }
0x70: {  	_ =	shalt  }
0x71: {  	_ =	shalt  }
0x72: {  	_ =	shalt  }
0x73: {  	_ =	shalt  }
0x74: {  	_ =	shalt  }
0x75: {  	_ =	shalt  }
0x76: {  	_ =	shalt  }
0x77: {  	_ =	shalt  }
0x78: {  	_ =	shalt  }
0x79: {  	_ =	shalt  }
0x7a: {  	_ =	shalt  }
0x7b: {  	_ =	shalt  }
0x7c: {  	_ =	shalt  }
0x7d: {  	_ =	shalt  }
0x7e: {  	_ =	shalt  }
0x7f: {  	_ =	shalt  }
0x80: {  	_ =	shalt  }
0x81: {  	_ =	shalt  }
0x82: {  	_ =	shalt  }
0x83: {  	_ =	shalt  }
0x84: {  	_ =	shalt  }
0x85: {  	_ =	shalt  }
0x86: {  	_ =	shalt  }
0x87: {  	_ =	shalt  }
.Lfunc_end0:
.L_simem_size_0:
called_computation_lowered:
.L_overlay_start_0:
0x88: {  	s2 =	sld [smem:$0x3FD9]  }
0x89: {  	s3 =	sld [smem:$0x3FFE];
	_ =	sdelay $0x1  }
0x8a: {  	s1 =	srdreg.scid  }
0x8b: {  	s0 =	sand.u32 $0x1, s1  }
0x8c: {  	s17 =	sshll.u32 s0, $0xA;
	s2 =	sadd.s32 s3, s2  }
0x8d: {  	s2 =	sadd.s32 s2, s17  }
0x8e: {  	[smem:$0x3FC4] =	sst s2  }
0x8f: {  	_ = 	snop  }
0x90: {  	s2 =	sld [smem:$0x3FC9]  }
0x91: {  	s18 =	sld [smem:$0x3FD0];
	(tm) =	ssettm $0x1  }
0x92: {  	s4 =	sld [smem:$0x3FFB];
	_ =	sdelay $0x3  }
0x93: {  	_ =	strace s4  }
0x94: {  	s4 =	sld [smem:$0x3FFC];
	_ =	sdelay $0x3  }
0x95: {  	_ =	strace s4  }
0x96: {  	s4 =	sld [smem:$0x3FFD];
	_ =	sdelay $0x3  }
0x97: {  	_ =	strace s4  }
0x98: {  	_ =	strace $0x8FFFFFFF  }
0x99: {  	s19 =	sld [smem:$0x3FDB];
	_ =	sdelay $0x1  }
0x9a: {  	s5 =	simm.s32 $_scs_section_size  }
0x9b: {  	s6 =	simm.s32 $_size__tile_overlayer_lowered;
	s7 =	simm.s32 $_tile_overlayer_lowered  }
0x9c: {  	s22 =	simm.s32 $0x1BFF;
	s21 =	sshll.u32 s7, $0x1;
	s4 =	sadd.s32 s5, s19  }
0x9d: {  	s8 =	simm.s32 $0x0;
	s20 =	sshll.u32 s6, $0x1;
	s6 =	sadd.s32 s21, s4  }
0x9e: {  	[timem:s8], [sflag:s22] =	dma.local [hbm:s6], s20  }
0x9f: {  	_ =	swait.ge [sflag:s22], s20  }
0xa0: {  	s5 =	ssub.s32 $0x0, s20;
	[sflag:s22] =	ssyncset.done $0x0  }
0xa1: {  	[sflag:s22] =	ssyncadd.s32 s5;
	_ =	sdelay $0x1  }
0xa2: {  	s23 =	simm.s32 $0x1B8B  }
0xa3: {  	_ =	swait.ge [sflag:s23], $0x1  }
0xa4: {  	[sflag:s23] =	ssyncset.done $0x0  }
0xa5: {  	s25 =	simm.s32 $0x1B8E;
	s24 =	sld [smem:$0x3FFE];
	[sflag:s23] =	ssyncadd.s32 $0xFFFFFFFF  }
0xa6: {  	s26 =	simm.s32 $execute0_lowered;
	[smem:$0x3FD2] =	sst s25  }
0xa7: {  	s6 =	sshll.u32 s26, $0x1;
	_ =	strace $0x80000046;
	[dreg:$0x1] =	wrdreg $0xFFFFFFFF  }
0xa8: {  	s28 =	simm.s32 $_size_execute0_lowered;
	s4 =	sadd.s32 s4, s6;
	[dreg:$0x0] =	wrdreg $0x0  }
0xa9: {  	s6 =	sshll.u32 s28, $0x1;
	[dreg:$0x2] =	wrdreg s4  }
0xaa: {  	[dreg:$0x3] =	wrdreg s6  }
0xab: {  	[dreg:$0x4] =	wrdreg $0xC0  }
0xac: {  	_ =	task [dreg:s8], $0x5FFFF  }
0xad: {  	[dreg:$0x1] =	wrdreg $0xFFFFFFFF  }
0xae: {  	[dreg:$0x0] =	wrdreg $0x60  }
0xaf: {  	[dreg:$0x2] =	wrdreg s24  }
0xb0: {  	[dreg:$0x3] =	wrdreg s18  }
0xb1: {  	[dreg:$0x4] =	wrdreg s2  }
0xb2: {  	[dreg:$0x5] =	wrdreg $0x9  }
0xb3: {  	_ =	task.clear_ibuf [dreg:s8], $0x6FFFF;
	_ =	strace $0x90000046  }
0xb4: {  	s29 =	simm.s32 $0x9;
	_ =	strace $0x80000048  }
0xb5: {  	_ =	swait.ge [sflag:s29], $0x1  }
0xb6: {  	[sflag:s29] =	ssyncadd.s32 $0xFFFFFFFF  }
0xb7: {  	_ =	strace $0x90000048  }
0xb8: {  	_ =	sfence  }
0xb9: {  	s30 =	sld [smem:$0x0];
	_ =	sdelay $0x2  }
0xba: {  	s31 =	sshll.u32 s1, $0xD;
	s1 =	sshrl.u32 s1, $0x2  }
0xbb: {  	s3 =	sand.u32 $0x4000, s31;
	s1 =	sadd.s32 s1, s30  }
0xbc: {  	s0 =	sor.u32 s3, s0;
	s1 =	sshll.u32 s1, $0x11  }
0xbd: {  	s0 =	sor.u32 s1, s0  }
0xbe: {  	s0 =	sadd.s32 $0x8F2B, s0  }
0xbf: {  	[sflag:s0] =	ssyncadd.remote.s32 $0x1  }
0xc0: {  	_ =	sfence.sel $0xFFFF  }
0xc1: {  	[dreg:$0x0] =	wrdreg $0xFFFFFFFF;
	(pc) =	sbr.abs _section_cstart, $3  }
0xc2: {  	[dreg:$0x1] =	wrdreg $0xFFFFFFFF  }
0xc3: {  	_ =	task.clear_ibuf [dreg:s8], $0x2FFFF;
	_ =	strace $0x9FFFFFFF  }
0xc4: {  	(tm) =	ssettm $0x7FFFFFFF  }
0xc5: {  	_ =	shalt  }
tec
execute0_lowered:
.L_overlay_start_1:
0x0: {  	(tag) =	ssettag $0x1  }
0x1: {  	s4 =	rddreg [dreg:$0x0]  }
0x2: {  	s13 =	rddreg [dreg:$0x1]  }
0x3: {  	s1 =	rddreg [dreg:$0x2]  }
0x4: {  	s3 =	simm.s32 $0x0;
	s5 =	srdreg.scid;
	s2 =	stileid.u32  }
0x5: {  	s19 =	simm.s32 $0x1;
	s20 =	simm.s32 $0x200;
	s21 =	simm.s32 $0x3  }
0x6: {  	s22 =	simm.s32 $0x5;
	s23 =	simm.s32 $0x2;
	s24 =	simm.s32 $0x4200  }
0x7: {  	s25 =	simm.s32 $0x4;
	s26 =	simm.s32 $0x6;
	s28 =	simm.s32 $0x0  }
0x8: {  	[smem:$0x7FF] =	sst s3;
	s5 =	sand.u32 $0x1, s5;
	s14 =	sshll.u32 s2, $0x5  }
0x9: {  	s16 =	sadd.s32 $0x15200, s4;
	s4 =	sadd.s32 $0x1F400, s4;
	s6 =	ssub.s32 $0x2, s5  }
0xa: {  	_ =	strace $0x80000047;
	s15 =	sshll.u32 s5, $0x4;
	s31 =	sshrl.u32 s6, $0x1  }
0xb: {  	s18 =	sadd.s32 s14, s13;
	s9 =	sor.u32 s15, s14;
	s17 =	ssub.s32 s6, s31  }
0xc: {  	s8 =	sor.u32 $0x200, s9;
	s5 =	sadd.s32 s16, s9;
	s6 =	sadd.s32 s13, s9  }
0xd: {  	s10 =	sor.u32 $0x400, s9;
	s12 =	sor.u32 $0x9E00, s9;
	s7 =	sadd.s32 s16, s8  }
0xe: {  	s8 =	sadd.s32 s13, s8;
	s9 =	sadd.s32 s16, s10;
	s10 =	sadd.s32 s13, s10  }
0xf: {  	s11 =	sadd.s32 s16, s12;
	s12 =	sadd.s32 s13, s12;
	s16 =	sadd.s32 s14, s16  }
0x10: {  	s13 =	smax.u32 s17, $0x1;
	s17 =	simm.s32 $0x80;
	s14 =	sadd.s32 s15, s16  }
0x11: {  	s15 =	sadd.s32 s15, s18;
	s16 =	simm.s32 $0x100;
	s18 =	simm.s32 $0x180  }
.LBB2_1:
0x12: {  	[tilespmem:s3], [sflag:$0x1] =	stream.linear.gather [hbm4b:s5+s3], $0x80, $0x38;
	[tilespmem:$0x8200] =	vst v63  }
0x13: {  	_ = 	snop  }
0x14: {  	[tilespmem:s16], [sflag:$0x1] =	stream.linear.gather [hbm4b:s6+s3], $0x80, $0x38;
	[tilespmem:$0x8200] =	vst v63  }
0x15: {  	_ = 	snop  }
0x16: {  	[tilespmem:s17], [sflag:$0x2] =	stream.linear.gather [hbm4b:s7+s3], $0x80, $0x38;
	[tilespmem:$0x8200] =	vst v63  }
0x17: {  	_ = 	snop  }
0x18: {  	[tilespmem:s18], [sflag:$0x2] =	stream.linear.gather [hbm4b:s8+s3], $0x80, $0x38;
	[tilespmem:$0x8200] =	vst v63  }
0x19: {  	_ =	swait.ge [sflag:s19], $0x80  }
0x1a: {  	[sflag:s19] =	ssyncset.done $0x0  }
0x1b: {  	[sflag:s19] =	ssyncadd.s32 $0xFFFFFF80  }
0x1c: {  	_ =	swait.ge [sflag:s19], $0x80  }
0x1d: {  	[sflag:s19] =	ssyncset.done $0x0  }
0x1e: {  	[sflag:s19] =	ssyncadd.s32 $0xFFFFFF80  }
0x1f: {  	[tilespmem:s20], [sflag:$0x3] =	stream.indirect.gather [hbm4b:s1+s17], $0x80, s3, s17, $0xb8;
	[tilespmem:$0x8200] =	vst v63  }
0x20: {  	_ =	swait.ge [sflag:s21], $0x4000  }
0x21: {  	[sflag:s21] =	ssyncset.done $0x0  }
0x22: {  	[sflag:s21] =	ssyncadd.s32 $0xFFFFC000  }
0x23: {  	[hbm4b:s4+s17] =	stream.indirect.scatter [tilespmem:s20], [sflag:$0x5], $0x80, s16, s17, $0xb8;
	[tilespmem:$0x8200] =	vst v63  }
0x24: {  	_ =	swait.ge [sflag:s22], $0x4000  }
0x25: {  	[sflag:s22] =	ssyncset.done $0x0  }
0x26: {  	[sflag:s22] =	ssyncadd.s32 $0xFFFFC000  }
0x27: {  	[tilespmem:s3], [sflag:$0x1] =	stream.linear.gather [hbm4b:s9+s3], $0x80, $0x38;
	[tilespmem:$0x8200] =	vst v63  }
0x28: {  	_ = 	snop  }
0x29: {  	[tilespmem:s16], [sflag:$0x1] =	stream.linear.gather [hbm4b:s10+s3], $0x80, $0x38;
	[tilespmem:$0x8200] =	vst v63  }
0x2a: {  	_ =	swait.ge [sflag:s23], $0x80  }
0x2b: {  	[sflag:s23] =	ssyncset.done $0x0  }
0x2c: {  	[sflag:s23] =	ssyncadd.s32 $0xFFFFFF80  }
0x2d: {  	_ =	swait.ge [sflag:s23], $0x80  }
0x2e: {  	[sflag:s23] =	ssyncset.done $0x0  }
0x2f: {  	[sflag:s23] =	ssyncadd.s32 $0xFFFFFF80  }
0x30: {  	[tilespmem:s24], [sflag:$0x4] =	stream.indirect.gather [hbm4b:s1+s17], $0x80, s17, s17, $0xb8;
	[tilespmem:$0x8200] =	vst v63  }
0x31: {  	_ =	swait.ge [sflag:s25], $0x4000  }
0x32: {  	[sflag:s25] =	ssyncset.done $0x0  }
0x33: {  	[sflag:s25] =	ssyncadd.s32 $0xFFFFC000  }
0x34: {  	[hbm4b:s4+s17] =	stream.indirect.scatter [tilespmem:s24], [sflag:$0x6], $0x80, s18, s17, $0xb8;
	[tilespmem:$0x8200] =	vst v63  }
0x35: {  	_ =	swait.ge [sflag:s26], $0x4000  }
0x36: {  	s29 =	sadd.s32 $0x0, s14;
	[sflag:s26] =	ssyncset.done $0x0  }
0x37: {  	s31 =	sadd.s32 $0x0, s15;
	s30 =	sadd.s32 $0x600, s29;
	[sflag:s26] =	ssyncadd.s32 $0xFFFFC000  }
0x38: {  	[tilespmem:s17], [sflag:$0x2] =	stream.linear.gather [hbm4b:s30+s3], $0x80, $0x38;
	[tilespmem:$0x8200] =	vst v63  }
0x39: {  	s0 =	sadd.s32 $0x600, s31  }
0x3a: {  	[tilespmem:s18], [sflag:$0x2] =	stream.linear.gather [hbm4b:s0+s3], $0x80, $0x38;
	[tilespmem:$0x8200] =	vst v63  }
0x3b: {  	_ =	swait.ge [sflag:s19], $0x80  }
0x3c: {  	[sflag:s19] =	ssyncset.done $0x0  }
0x3d: {  	[sflag:s19] =	ssyncadd.s32 $0xFFFFFF80  }
0x3e: {  	_ =	swait.ge [sflag:s19], $0x80  }
0x3f: {  	[sflag:s19] =	ssyncset.done $0x0  }
0x40: {  	[sflag:s19] =	ssyncadd.s32 $0xFFFFFF80  }
0x41: {  	[tilespmem:s20], [sflag:$0x3] =	stream.indirect.gather [hbm4b:s1+s17], $0x80, s3, s17, $0xb8;
	[tilespmem:$0x8200] =	vst v63  }
0x42: {  	_ =	swait.ge [sflag:s21], $0x4000  }
0x43: {  	[sflag:s21] =	ssyncset.done $0x0  }
0x44: {  	[sflag:s21] =	ssyncadd.s32 $0xFFFFC000  }
0x45: {  	[hbm4b:s4+s17] =	stream.indirect.scatter [tilespmem:s20], [sflag:$0x5], $0x80, s16, s17, $0xb8;
	[tilespmem:$0x8200] =	vst v63  }
0x46: {  	_ =	swait.ge [sflag:s22], $0x4000  }
0x47: {  	[sflag:s22] =	ssyncset.done $0x0  }
0x48: {  	s29 =	sadd.s32 $0x800, s29;
	[sflag:s22] =	ssyncadd.s32 $0xFFFFC000  }
0x49: {  	[tilespmem:s3], [sflag:$0x1] =	stream.linear.gather [hbm4b:s29+s3], $0x80, $0x38;
	[tilespmem:$0x8200] =	vst v63  }
0x4a: {  	s29 =	sadd.s32 $0x800, s31  }
0x4b: {  	[tilespmem:s16], [sflag:$0x1] =	stream.linear.gather [hbm4b:s29+s3], $0x80, $0x38;
	[tilespmem:$0x8200] =	vst v63  }
0x4c: {  	_ =	swait.ge [sflag:s23], $0x80  }
0x4d: {  	[sflag:s23] =	ssyncset.done $0x0  }
0x4e: {  	[sflag:s23] =	ssyncadd.s32 $0xFFFFFF80  }
0x4f: {  	_ =	swait.ge [sflag:s23], $0x80  }
0x50: {  	[sflag:s23] =	ssyncset.done $0x0  }
0x51: {  	[sflag:s23] =	ssyncadd.s32 $0xFFFFFF80  }
0x52: {  	[tilespmem:s24], [sflag:$0x4] =	stream.indirect.gather [hbm4b:s1+s17], $0x80, s17, s17, $0xb8;
	[tilespmem:$0x8200] =	vst v63  }
0x53: {  	_ =	swait.ge [sflag:s25], $0x4000  }
0x54: {  	[sflag:s25] =	ssyncset.done $0x0  }
0x55: {  	s29 =	simm.s32 $0x400;
	[sflag:s25] =	ssyncadd.s32 $0xFFFFC000  }
.LBB2_2:
0x56: {  	[hbm4b:s4+s17] =	stream.indirect.scatter [tilespmem:s24], [sflag:$0x6], $0x80, s18, s17, $0xb8;
	[tilespmem:$0x8200] =	vst v63  }
0x57: {  	s30 =	smov.u32 s29  }
0x58: {  	p0 =	sne.s32 s29, $0x9400;
	s29 =	sadd.s32 $0x400, s29;
	_ =	swait.ge [sflag:s26], $0x4000  }
0x59: {  	s31 =	sadd.s32 s30, s14;
	[sflag:s26] =	ssyncset.done $0x0  }
0x5a: {  	s30 =	sadd.s32 s30, s15;
	s0 =	sadd.s32 $0x600, s31;
	[sflag:s26] =	ssyncadd.s32 $0xFFFFC000  }
0x5b: {  	[tilespmem:s17], [sflag:$0x2] =	stream.linear.gather [hbm4b:s0+s3], $0x80, $0x38;
	[tilespmem:$0x8200] =	vst v63  }
0x5c: {  	s0 =	sadd.s32 $0x600, s30  }
0x5d: {  	[tilespmem:s18], [sflag:$0x2] =	stream.linear.gather [hbm4b:s0+s3], $0x80, $0x38;
	[tilespmem:$0x8200] =	vst v63  }
0x5e: {  	_ =	swait.ge [sflag:s19], $0x80  }
0x5f: {  	[sflag:s19] =	ssyncset.done $0x0  }
0x60: {  	[sflag:s19] =	ssyncadd.s32 $0xFFFFFF80  }
0x61: {  	_ =	swait.ge [sflag:s19], $0x80  }
0x62: {  	[sflag:s19] =	ssyncset.done $0x0  }
0x63: {  	[sflag:s19] =	ssyncadd.s32 $0xFFFFFF80  }
0x64: {  	[tilespmem:s20], [sflag:$0x3] =	stream.indirect.gather [hbm4b:s1+s17], $0x80, s3, s17, $0xb8;
	[tilespmem:$0x8200] =	vst v63  }
0x65: {  	_ =	swait.ge [sflag:s21], $0x4000  }
0x66: {  	[sflag:s21] =	ssyncset.done $0x0  }
0x67: {  	[sflag:s21] =	ssyncadd.s32 $0xFFFFC000  }
0x68: {  	[hbm4b:s4+s17] =	stream.indirect.scatter [tilespmem:s20], [sflag:$0x5], $0x80, s16, s17, $0xb8;
	[tilespmem:$0x8200] =	vst v63  }
0x69: {  	_ =	swait.ge [sflag:s22], $0x4000  }
0x6a: {  	[sflag:s22] =	ssyncset.done $0x0  }
0x6b: {  	s0 =	sadd.s32 $0x800, s31;
	[sflag:s22] =	ssyncadd.s32 $0xFFFFC000  }
0x6c: {  	[tilespmem:s3], [sflag:$0x1] =	stream.linear.gather [hbm4b:s0+s3], $0x80, $0x38;
	[tilespmem:$0x8200] =	vst v63  }
0x6d: {  	s0 =	sadd.s32 $0x800, s30  }
0x6e: {  	[tilespmem:s16], [sflag:$0x1] =	stream.linear.gather [hbm4b:s0+s3], $0x80, $0x38;
	[tilespmem:$0x8200] =	vst v63  }
0x6f: {  	_ =	swait.ge [sflag:s23], $0x80  }
0x70: {  	[sflag:s23] =	ssyncset.done $0x0  }
0x71: {  	[sflag:s23] =	ssyncadd.s32 $0xFFFFFF80  }
0x72: {  	_ =	swait.ge [sflag:s23], $0x80  }
0x73: {  	[sflag:s23] =	ssyncset.done $0x0  }
.Ltmp0:
0x74: {  	[sflag:s23] =	ssyncadd.s32 $0xFFFFFF80;
	(pc) =	sbr.rel @p0 .LBB2_2-.Ltmp0, $4  }
0x75: {  	[tilespmem:s24], [sflag:$0x4] =	stream.indirect.gather [hbm4b:s1+s17], $0x80, s17, s17, $0xb8;
	[tilespmem:$0x8200] =	vst v63  }
0x76: {  	_ =	swait.ge [sflag:s25], $0x4000  }
0x77: {  	[sflag:s25] =	ssyncset.done $0x0  }
0x78: {  	[sflag:s25] =	ssyncadd.s32 $0xFFFFC000  }
0x79: {  	[hbm4b:s4+s17] =	stream.indirect.scatter [tilespmem:s24], [sflag:$0x6], $0x80, s18, s17, $0xb8;
	[tilespmem:$0x8200] =	vst v63  }
0x7a: {  	_ =	swait.ge [sflag:s26], $0x4000  }
0x7b: {  	[sflag:s26] =	ssyncset.done $0x0  }
0x7c: {  	[sflag:s26] =	ssyncadd.s32 $0xFFFFC000  }
0x7d: {  	[tilespmem:s17], [sflag:$0x2] =	stream.linear.gather [hbm4b:s11+s3], $0x80, $0x38;
	[tilespmem:$0x8200] =	vst v63  }
0x7e: {  	_ = 	snop  }
0x7f: {  	[tilespmem:s18], [sflag:$0x2] =	stream.linear.gather [hbm4b:s12+s3], $0x80, $0x38;
	[tilespmem:$0x8200] =	vst v63  }
0x80: {  	_ =	swait.ge [sflag:s19], $0x80  }
0x81: {  	[sflag:s19] =	ssyncset.done $0x0  }
0x82: {  	[sflag:s19] =	ssyncadd.s32 $0xFFFFFF80  }
0x83: {  	_ =	swait.ge [sflag:s19], $0x80  }
0x84: {  	[sflag:s19] =	ssyncset.done $0x0  }
0x85: {  	[sflag:s19] =	ssyncadd.s32 $0xFFFFFF80  }
0x86: {  	[tilespmem:s20], [sflag:$0x3] =	stream.indirect.gather [hbm4b:s1+s17], $0x80, s3, s17, $0xb8;
	[tilespmem:$0x8200] =	vst v63  }
0x87: {  	_ =	swait.ge [sflag:s21], $0x4000  }
0x88: {  	[sflag:s21] =	ssyncset.done $0x0  }
0x89: {  	[sflag:s21] =	ssyncadd.s32 $0xFFFFC000  }
0x8a: {  	[hbm4b:s4+s17] =	stream.indirect.scatter [tilespmem:s20], [sflag:$0x5], $0x80, s16, s17, $0xb8;
	[tilespmem:$0x8200] =	vst v63  }
0x8b: {  	_ =	swait.ge [sflag:s22], $0x4000  }
0x8c: {  	[sflag:s22] =	ssyncset.done $0x0  }
0x8d: {  	[sflag:s22] =	ssyncadd.s32 $0xFFFFC000  }
0x8e: {  	_ =	swait.ge [sflag:s23], $0x80  }
0x8f: {  	[sflag:s23] =	ssyncset.done $0x0  }
0x90: {  	[sflag:s23] =	ssyncadd.s32 $0xFFFFFF80  }
0x91: {  	_ =	swait.ge [sflag:s23], $0x80  }
0x92: {  	[sflag:s23] =	ssyncset.done $0x0  }
0x93: {  	[sflag:s23] =	ssyncadd.s32 $0xFFFFFF80  }
0x94: {  	[tilespmem:s24], [sflag:$0x4] =	stream.indirect.gather [hbm4b:s1+s17], $0x80, s17, s17, $0xb8;
	[tilespmem:$0x8200] =	vst v63  }
0x95: {  	s28 =	sadd.s32 $0x1, s28;
	_ =	swait.ge [sflag:s25], $0x4000  }
0x96: {  	p0 =	sne.s32 s28, s13;
	[sflag:s25] =	ssyncset.done $0x0  }
.Ltmp1:
0x97: {  	[sflag:s25] =	ssyncadd.s32 $0xFFFFC000;
	(pc) =	sbr.rel @p0 .LBB2_1-.Ltmp1, $4  }
0x98: {  	[hbm4b:s4+s17] =	stream.indirect.scatter [tilespmem:s24], [sflag:$0x6], $0x80, s18, s17, $0xb8;
	[tilespmem:$0x8200] =	vst v63  }
0x99: {  	_ =	swait.ge [sflag:s26], $0x4000  }
0x9a: {  	[sflag:s26] =	ssyncset.done $0x0  }
0x9b: {  	[sflag:s26] =	ssyncadd.s32 $0xFFFFC000  }
0x9c: {  	_ =	sfence.sel $0x180000  }
0x9d: {  	[bflag:$0x0] =	sbarrier.arrive $0xFFFF  }
0x9e: {  	_ =	strace $0x90000047  }
0x9f: {  	[bflag:$0x2] =	sbarrier.arrive $0xFFFF  }
0xa0: {  	p0 =	sne.s32 s2, $0x0;
	s0 =	rddreg [dreg:$0x3]  }
0xa1: {  	s0 =	sadd.s32 @!p0 $0x100000, s0  }
0xa2: {  	[sflag:s0] =	ssyncadd.tile.s32 @!p0 $0x1;
	_ =	shalt  }
.Lfunc_end2:
_tile_overlayer_lowered:
.L_overlay_start_2:
0xa3: {  	(tag) =	ssettag $0x2  }
0xa4: {  	s0 =	rddreg [dreg:$0x0];
	s2 =	stileid.u32  }
0xa5: {  	s1 =	rddreg [dreg:$0x1];
	p0 =	sne.s32 s2, $0x0  }
0xa6: {  	s3 =	rddreg [dreg:$0x2];
	[bflag:$0x3] =	sbarrier.arrive $0xFFFF;
	s2 =	simm.s32 @!p0 $0x1C07  }
0xa7: {  	[timem:s3], [sflag:s2] =	dma.local @!p0 [hbm:s0], s1  }
0xa8: {  	s0 =	simm.s32 @!p0 $0x7  }
0xa9: {  	_ =	swait.ge @!p0 [sflag:s0], s1  }
0xaa: {  	s1 =	ssub.s32 @!p0 $0x0, s1;
	[sflag:s0] =	ssyncset.done @!p0 $0x0  }
0xab: {  	[sflag:s0] =	ssyncadd.s32 @!p0 s1  }
0xac: {  	[bflag:$0x3] =	sbarrier.arrive $0xFFFF  }
0xad: {  	_ =	shalt  }

</sc_bundles>
